<compile_context>
chip_gen: v7x
topology: tpu7x:2x2x1
jax: 0.10.2.dev20260603
libtpu: 0.0.44.dev20260713+nightly
codegen_flags: <defaults>
</compile_context>

<pallas_src>
import functools

import jax
import jax.numpy as jnp
from jax import lax
from jax.experimental import pallas as pl
from jax.experimental.pallas import tpu as pltpu
from jax.experimental.pallas import tpu_sc as plsc

_LOG2E = 1.4426950408889634

_NC, _NS, _L = 2, 16, 16
_NW = _NC * _NS
_CT = 1050
_SC_TILES = 210
_TC_TILES = _CT - _SC_TILES
_K = 3
_NCHUNK = _SC_TILES // _K


def _tc_body(x_ref, t_ref, o_ref, acc_ref):
    i = pl.program_id(0)
    g = pl.num_programs(0)

    @pl.when(i == 0)
    def _():
        acc_ref[0] = 0.0
        acc_ref[1] = 0.0

    x = x_ref[...]
    t = t_ref[...]
    u = jnp.abs(x)
    e = jnp.exp2(u * (-_LOG2E))
    a = 1.0 / (1.0 + e)
    l = 0.0 - jnp.log(a)
    q = e * a
    h = u + l
    p_val = (a * a) * h
    q_val = (q * q) * l
    tpos = t > 0.0
    pick_p = (x >= 0.0) != tpos
    val = jnp.where(pick_p, p_val, q_val)
    alpha = jnp.where(tpos, 0.25, 0.75)
    loss = alpha * val

    acc_ref[0] += jnp.sum(loss)
    acc_ref[1] += jnp.sum(jnp.max(t, axis=0))

    @pl.when(i == g - 1)
    def _():
        o_ref[0, 0] = acc_ref[0]
        o_ref[0, 1] = acc_ref[1]


def _tc_partial(xt, tt):
    c = xt.shape[0]
    bc = (_TC_TILES // 10) * 128
    grid = (_TC_TILES * 128) // bc
    out = pl.pallas_call(
        _tc_body,
        grid=(grid,),
        in_specs=[
            pl.BlockSpec((c, bc), lambda i: (0, i)),
            pl.BlockSpec((c, bc), lambda i: (0, i)),
        ],
        out_specs=pl.BlockSpec((1, 2), lambda i: (0, 0), memory_space=pltpu.SMEM),
        out_shape=jax.ShapeDtypeStruct((1, 2), jnp.float32),
        scratch_shapes=[
            pltpu.SMEM((2,), jnp.float32),
        ],
        compiler_params=pltpu.CompilerParams(
            dimension_semantics=("arbitrary",),
        ),
    )(xt, tt)
    return out[0, 0], out[0, 1]


_SC_BIG = _SC_TILES - (_SC_TILES // _NW) * _NW
_SC_SMALL_CNT = _SC_TILES // _NW


def _sc_loss_step(x, t):
    u = jnp.abs(x)
    e = jnp.exp(-u)
    a = 1.0 / (1.0 + e)
    z = e / (2.0 + e)
    z2 = z * z
    pw = 1.0 / 7.0
    pw = 1.0 / 5.0 + z2 * pw
    pw = 1.0 / 3.0 + z2 * pw
    pw = 1.0 + z2 * pw
    lg = (2.0 * z) * pw
    q = e * a
    h = u + lg
    p_val = (a * a) * h
    q_val = (q * q) * lg
    tpos = t > 0.0
    pick_p = (x >= 0.0) != tpos
    val = jnp.where(pick_p, p_val, q_val)
    alpha = jnp.where(tpos, 0.25, 0.75)
    return alpha * val


@functools.cache
def _sc_kernel():
    scmesh = plsc.VectorSubcoreMesh(core_axis_name="c", subcore_axis_name="s")

    @functools.partial(
        pl.kernel,
        mesh=scmesh,
        out_type=[
            jax.ShapeDtypeStruct((_NW, _L), jnp.float32),
            jax.ShapeDtypeStruct((_NW, _L), jnp.float32),
        ],
        scratch_types=[
            pltpu.VMEM((10, 1, 8, 128), jnp.float32),
            pltpu.VMEM((10, 1, 8, 128), jnp.float32),
            pltpu.SemaphoreType.DMA,
        ],
    )
    def sc_focal(x_hbm, t_hbm, sum_hbm, cnt_hbm, xv, tv, sem):
        w = lax.axis_index("s") * _NC + lax.axis_index("c")
        base = w * _SC_SMALL_CNT + jnp.minimum(w, _SC_BIG)
        cnt = jnp.where(w < _SC_BIG, _SC_SMALL_CNT + 1, _SC_SMALL_CNT)

        def tile_body(j, carry):
            lacc0, cacc0 = carry
            c0 = _TC_TILES + base + j
            hx = pltpu.async_copy(x_hbm.at[:, pl.ds(c0, 1)], xv, sem)
            ht = pltpu.async_copy(t_hbm.at[:, pl.ds(c0, 1)], tv, sem)
            hx.wait()
            ht.wait()

            def l16_body(l16, carry2):
                lacc2, cacc2 = carry2
                o = l16 * _L

                def r_body(r, carry3):
                    la, colany = carry3
                    for s in range(8):
                        x = xv[r, 0, s, pl.ds(o, _L)]
                        t = tv[r, 0, s, pl.ds(o, _L)]
                        la = la + _sc_loss_step(x, t)
                        colany = jnp.maximum(colany, t)
                    return la, colany

                la, colany = lax.fori_loop(
                    0, 10, r_body, (lacc2, jnp.zeros((_L,), jnp.float32))
                )
                return la, cacc2 + colany

            return lax.fori_loop(0, 8, l16_body, (lacc0, cacc0))

        zero = jnp.zeros((_L,), jnp.float32)
        lacc, cacc = lax.fori_loop(0, cnt, tile_body, (zero, zero))
        xv[0, 0, 0, pl.ds(0, _L)] = lacc
        tv[0, 0, 0, pl.ds(0, _L)] = cacc
        pltpu.sync_copy(xv.at[0, 0, 0, pl.ds(0, _L)], sum_hbm.at[w])
        pltpu.sync_copy(tv.at[0, 0, 0, pl.ds(0, _L)], cnt_hbm.at[w])

    return sc_focal


def kernel(logits, targets):
    xt = logits.T
    tt = targets.T
    b_x = xt.reshape(10, 8, _CT, 128).transpose(0, 2, 1, 3)
    b_t = tt.reshape(10, 8, _CT, 128).transpose(0, 2, 1, 3)
    sc_sum, sc_cnt = _sc_kernel()(b_x, b_t)
    tc_sum, tc_cnt = _tc_partial(xt, tt)
    total = tc_sum + jnp.sum(sc_sum)
    cnt = tc_cnt + jnp.sum(sc_cnt)
    return total / jnp.maximum(cnt, 1.0)

# --- scband reference (transcript-rebuilt; emitter-appended) ---
"""Pipeline reference for scband-criterion-10557029614132 (READ-ONLY COPY).

The authoritative reference and input builder live on the scoring server;
editing this copy changes nothing except your own understanding.
"""

import jax, jax.numpy as jnp
import numpy as np

GAMMA = 2.0
ALPHA = 0.25
N = 134400
C = 80


def setup_inputs(seed: int = 0) -> dict:
    key = jax.random.key(seed)
    k1, k2 = jax.random.split(key)
    logits = jax.random.normal(k1, (N, C), dtype=jnp.float32)
    # sparse binary one-hot-style targets (~1/80 positive rate), built from uniform fill
    targets = (jax.random.uniform(k2, (N, C), dtype=jnp.float32) < 0.0125).astype(jnp.float32)
    return {"logits": logits, "targets": targets}


def reference(logits, targets):
    # SigmoidFocalWithLogitsLoss with reduction='none', then sum / num_boxes
    # exactly as Criterion.loss_labels does.
    p = jax.nn.sigmoid(logits)
    # numerically-stable binary_cross_entropy_with_logits (reduction='none')
    ce_loss = jnp.maximum(logits, 0.0) - logits * targets + jnp.log1p(jnp.exp(-jnp.abs(logits)))
    p_t = p * targets + (1.0 - p) * (1.0 - targets)
    loss = ce_loss * (1.0 - p_t) ** GAMMA
    alpha_t = ALPHA * targets + (1.0 - ALPHA) * (1.0 - targets)
    loss = alpha_t * loss
    # num_foreground: number of anchors with at least one positive class, clamped min 1
    num_boxes = jnp.maximum(jnp.sum(jnp.max(targets, axis=1)), 1.0)
    return jnp.sum(loss) / num_boxes

if __name__ == "__main__":
    import jax
    _d = setup_inputs()
    print(jax.jit(kernel)(*tuple(_d.values())))

</pallas_src>

<mosaic_0001>
#map = affine_map<(d0, d1) -> (0, 0, 0, 0)>
#map1 = affine_map<(d0, d1) -> (0, 0)>
module attributes {stable_mosaic.version = 14 : i64} {
  func.func @sc_focal(%arg0: i32, %arg1: i32, %arg2: memref<10x1050x8x128xf32, #tpu.memory_space<hbm>>, %arg3: memref<10x1050x8x128xf32, #tpu.memory_space<hbm>>, %arg4: memref<32x16xf32, #tpu.memory_space<hbm>>, %arg5: memref<32x16xf32, #tpu.memory_space<hbm>>, %arg6: memref<10x1x8x128xf32, #tpu.memory_space<vmem>>, %arg7: memref<10x1x8x128xf32, #tpu.memory_space<vmem>>, %arg8: memref<!tpu.dma_semaphore, #tpu.memory_space<semaphore_mem>>) attributes {dimension_semantics = [#tpu.dimension_semantics<core_parallel>, #tpu.dimension_semantics<subcore_parallel>], iteration_bounds = array<i64: 2, 16>, scalar_prefetch = 0 : i64, scratch_operands = 3 : i64, tpu.core_type = #tpu.core_type<sc_vector_subcore>, window_params = [{transform_indices = #map}, {transform_indices = #map}, {transform_indices = #map1}, {transform_indices = #map1}]} {
    %mul3A = arith.constant 2 : i32
    %mul3A_0 = arith.muli %arg1, %mul3A : i32
    %add3A = arith.addi %mul3A_0, %arg0 : i32
    %mul3A_1 = arith.constant 6 : i32
    %mul3A_2 = arith.muli %add3A, %mul3A_1 : i32
    %min3A = arith.constant 18 : i32
    %min3A_3 = arith.minsi %add3A, %min3A : i32
    %add3A_4 = arith.addi %mul3A_2, %min3A_3 : i32
    %lt3A = arith.constant 18 : i32
    %lt3A_5 = arith.cmpi slt, %add3A, %lt3A : i32
    %jit3A = arith.constant 7 : i32
    %jit3A_6 = arith.constant 6 : i32
    %select_n3A = arith.select %lt3A_5, %jit3A, %jit3A_6 : i32
    %broadcast_in_dim3A = arith.constant 0.000000e+00 : f32
    %broadcast_in_dim3A_7 = vector.broadcast %broadcast_in_dim3A : f32 to vector<16xf32>
    %while3A = arith.constant 0 : i32
    %while3A_8 = arith.subi %select_n3A, %while3A : i32
    %while3A_9 = arith.addi %while3A, %while3A_8 : i32
    %while3A_10 = arith.constant 1 : i32
    %while3A_11 = arith.divsi %while3A_8, %while3A_10 : i32
    %while3A_12 = arith.muli %while3A_11, %while3A_10 : i32
    %while3A_13 = arith.addi %while3A, %while3A_12 : i32
    %while3A_14 = arith.constant 1 : i32
    %while3A_15:2 = scf.for %while3A_42 = %while3A to %while3A_13 step %while3A_14 iter_args(%while3A_43 = %broadcast_in_dim3A_7, %while3A_44 = %broadcast_in_dim3A_7) -> (vector<16xf32>, vector<16xf32>)  : i32 {
      %add3A_45 = arith.constant 840 : i32
      %add3A_46 = arith.addi %add3A_45, %add3A_4 : i32
      %add3A_47 = arith.addi %add3A_46, %while3A_42 : i32
      %dma_start3A = arith.constant 0 : i32
      %dma_start3A_48 = arith.constant 0 : i32
      %dma_start3A_49 = arith.constant 0 : i32
      %dma_start3A_50 = tpu.memref_slice %arg2[%dma_start3A, %add3A_47, %dma_start3A_48, %dma_start3A_49] : memref<10x1050x8x128xf32, #tpu.memory_space<hbm>> -> memref<10x1x8x128xf32, #tpu.memory_space<hbm>>
      %dma_start3A_51 = arith.constant 0 : i32
      %dma_start3A_52 = arith.constant 0 : i32
      %dma_start3A_53 = arith.constant 0 : i32
      %dma_start3A_54 = tpu.memref_slice %arg2[%dma_start3A_51, %add3A_47, %dma_start3A_52, %dma_start3A_53] : memref<10x1050x8x128xf32, #tpu.memory_space<hbm>> -> memref<10x1x8x128xf32, #tpu.memory_space<hbm>>
      tpu.enqueue_dma source(%dma_start3A_54 : memref<10x1x8x128xf32, #tpu.memory_space<hbm>>) target(%arg6 : memref<10x1x8x128xf32, #tpu.memory_space<vmem>>) target_semaphore(%arg8 : memref<!tpu.dma_semaphore, #tpu.memory_space<semaphore_mem>>)
      %dma_start3A_55 = arith.constant 0 : i32
      %dma_start3A_56 = arith.constant 0 : i32
      %dma_start3A_57 = arith.constant 0 : i32
      %dma_start3A_58 = tpu.memref_slice %arg3[%dma_start3A_55, %add3A_47, %dma_start3A_56, %dma_start3A_57] : memref<10x1050x8x128xf32, #tpu.memory_space<hbm>> -> memref<10x1x8x128xf32, #tpu.memory_space<hbm>>
      %dma_start3A_59 = arith.constant 0 : i32
      %dma_start3A_60 = arith.constant 0 : i32
      %dma_start3A_61 = arith.constant 0 : i32
      %dma_start3A_62 = tpu.memref_slice %arg3[%dma_start3A_59, %add3A_47, %dma_start3A_60, %dma_start3A_61] : memref<10x1050x8x128xf32, #tpu.memory_space<hbm>> -> memref<10x1x8x128xf32, #tpu.memory_space<hbm>>
      tpu.enqueue_dma source(%dma_start3A_62 : memref<10x1x8x128xf32, #tpu.memory_space<hbm>>) target(%arg7 : memref<10x1x8x128xf32, #tpu.memory_space<vmem>>) target_semaphore(%arg8 : memref<!tpu.dma_semaphore, #tpu.memory_space<semaphore_mem>>)
      %dma_wait3A = arith.constant 0 : i32
      %dma_wait3A_63 = arith.constant 0 : i32
      %dma_wait3A_64 = arith.constant 0 : i32
      %dma_wait3A_65 = tpu.memref_slice %arg2[%dma_wait3A, %add3A_47, %dma_wait3A_63, %dma_wait3A_64] : memref<10x1050x8x128xf32, #tpu.memory_space<hbm>> -> memref<10x1x8x128xf32, #tpu.memory_space<hbm>>
      %dma_wait3A_66 = arith.constant 0 : i32
      %dma_wait3A_67 = arith.constant 0 : i32
      %dma_wait3A_68 = arith.constant 0 : i32
      %dma_wait3A_69 = tpu.memref_slice %arg2[%dma_wait3A_66, %add3A_47, %dma_wait3A_67, %dma_wait3A_68] : memref<10x1050x8x128xf32, #tpu.memory_space<hbm>> -> memref<10x1x8x128xf32, #tpu.memory_space<hbm>>
      tpu.wait_dma2 semaphore(%arg8 : memref<!tpu.dma_semaphore, #tpu.memory_space<semaphore_mem>>) src(%dma_wait3A_69 : memref<10x1x8x128xf32, #tpu.memory_space<hbm>>) dst(%arg6 : memref<10x1x8x128xf32, #tpu.memory_space<vmem>>)
      %dma_wait3A_70 = arith.constant 0 : i32
      %dma_wait3A_71 = arith.constant 0 : i32
      %dma_wait3A_72 = arith.constant 0 : i32
      %dma_wait3A_73 = tpu.memref_slice %arg3[%dma_wait3A_70, %add3A_47, %dma_wait3A_71, %dma_wait3A_72] : memref<10x1050x8x128xf32, #tpu.memory_space<hbm>> -> memref<10x1x8x128xf32, #tpu.memory_space<hbm>>
      %dma_wait3A_74 = arith.constant 0 : i32
      %dma_wait3A_75 = arith.constant 0 : i32
      %dma_wait3A_76 = arith.constant 0 : i32
      %dma_wait3A_77 = tpu.memref_slice %arg3[%dma_wait3A_74, %add3A_47, %dma_wait3A_75, %dma_wait3A_76] : memref<10x1050x8x128xf32, #tpu.memory_space<hbm>> -> memref<10x1x8x128xf32, #tpu.memory_space<hbm>>
      tpu.wait_dma2 semaphore(%arg8 : memref<!tpu.dma_semaphore, #tpu.memory_space<semaphore_mem>>) src(%dma_wait3A_77 : memref<10x1x8x128xf32, #tpu.memory_space<hbm>>) dst(%arg7 : memref<10x1x8x128xf32, #tpu.memory_space<vmem>>)
      %scan3A = arith.constant 0 : i32
      %scan3A_78 = arith.constant 8 : i32
      %scan3A_79 = arith.addi %scan3A, %scan3A_78 : i32
      %scan3A_80 = arith.constant 1 : i32
      %scan3A_81:2 = scf.for %scan3A_83 = %scan3A to %scan3A_79 step %scan3A_80 iter_args(%scan3A_84 = %while3A_43, %scan3A_85 = %while3A_44) -> (vector<16xf32>, vector<16xf32>)  : i32 {
        %mul3A_86 = arith.constant 16 : i32
        %mul3A_87 = arith.muli %scan3A_83, %mul3A_86 : i32
        %broadcast_in_dim3A_88 = arith.constant 0.000000e+00 : f32
        %broadcast_in_dim3A_89 = vector.broadcast %broadcast_in_dim3A_88 : f32 to vector<16xf32>
        %scan3A_90 = arith.constant 0 : i32
        %scan3A_91 = arith.constant 10 : i32
        %scan3A_92 = arith.addi %scan3A_90, %scan3A_91 : i32
        %scan3A_93 = arith.constant 1 : i32
        %scan3A_94:2 = scf.for %scan3A_97 = %scan3A_90 to %scan3A_92 step %scan3A_93 iter_args(%scan3A_98 = %scan3A_84, %scan3A_99 = %broadcast_in_dim3A_89) -> (vector<16xf32>, vector<16xf32>)  : i32 {
          %get3A = arith.constant 0 : i32
          %get3A_100 = arith.constant 0 : i32
          %get3A_101 = arith.index_cast %scan3A_97 : i32 to index
          %get3A_102 = arith.index_cast %get3A : i32 to index
          %get3A_103 = arith.index_cast %get3A_100 : i32 to index
          %get3A_104 = arith.index_cast %mul3A_87 : i32 to index
          %get3A_105 = tpu.vector_load %arg6[%get3A_101, %get3A_102, %get3A_103, %get3A_104] {strides = array<i32>} : memref<10x1x8x128xf32, #tpu.memory_space<vmem>>, vector<1x1x1x16xf32>,
          %get3A_106 = vector.shape_cast %get3A_105 : vector<1x1x1x16xf32> to vector<16xf32>
          %get3A_107 = arith.constant 0 : i32
          %get3A_108 = arith.constant 0 : i32
          %get3A_109 = arith.index_cast %scan3A_97 : i32 to index
          %get3A_110 = arith.index_cast %get3A_107 : i32 to index
          %get3A_111 = arith.index_cast %get3A_108 : i32 to index
          %get3A_112 = arith.index_cast %mul3A_87 : i32 to index
          %get3A_113 = tpu.vector_load %arg7[%get3A_109, %get3A_110, %get3A_111, %get3A_112] {strides = array<i32>} : memref<10x1x8x128xf32, #tpu.memory_space<vmem>>, vector<1x1x1x16xf32>,
          %get3A_114 = vector.shape_cast %get3A_113 : vector<1x1x1x16xf32> to vector<16xf32>
          %abs3A = math.absf %get3A_106 : vector<16xf32>
          %neg3A = arith.constant 0.000000e+00 : f32
          %neg3A_115 = vector.broadcast %neg3A : f32 to vector<16xf32>
          %neg3A_116 = arith.subf %neg3A_115, %abs3A : vector<16xf32>
          %exp3A = math.exp %neg3A_116 : vector<16xf32>
          %add3A_117 = arith.constant 1.000000e+00 : f32
          %add3A_118 = vector.broadcast %add3A_117 : f32 to vector<16xf32>
          %add3A_119 = arith.addf %add3A_118, %exp3A : vector<16xf32>
          %div3A = arith.constant 1.000000e+00 : f32
          %div3A_120 = vector.broadcast %div3A : f32 to vector<16xf32>
          %div3A_121 = arith.divf %div3A_120, %add3A_119 : vector<16xf32>
          %add3A_122 = arith.constant 2.000000e+00 : f32
          %add3A_123 = vector.broadcast %add3A_122 : f32 to vector<16xf32>
          %add3A_124 = arith.addf %add3A_123, %exp3A : vector<16xf32>
          %div3A_125 = arith.divf %exp3A, %add3A_124 : vector<16xf32>
          %mul3A_126 = arith.mulf %div3A_125, %div3A_125 : vector<16xf32>
          %mul3A_127 = arith.constant 0.142857149 : f32
          %mul3A_128 = vector.broadcast %mul3A_127 : f32 to vector<16xf32>
          %mul3A_129 = arith.mulf %mul3A_126, %mul3A_128 : vector<16xf32>
          %add3A_130 = arith.constant 2.000000e-01 : f32
          %add3A_131 = vector.broadcast %add3A_130 : f32 to vector<16xf32>
          %add3A_132 = arith.addf %add3A_131, %mul3A_129 : vector<16xf32>
          %mul3A_133 = arith.mulf %mul3A_126, %add3A_132 : vector<16xf32>
          %add3A_134 = arith.constant 0.333333343 : f32
          %add3A_135 = vector.broadcast %add3A_134 : f32 to vector<16xf32>
          %add3A_136 = arith.addf %add3A_135, %mul3A_133 : vector<16xf32>
          %mul3A_137 = arith.mulf %mul3A_126, %add3A_136 : vector<16xf32>
          %add3A_138 = arith.constant 1.000000e+00 : f32
          %add3A_139 = vector.broadcast %add3A_138 : f32 to vector<16xf32>
          %add3A_140 = arith.addf %add3A_139, %mul3A_137 : vector<16xf32>
          %mul3A_141 = arith.constant 2.000000e+00 : f32
          %mul3A_142 = vector.broadcast %mul3A_141 : f32 to vector<16xf32>
          %mul3A_143 = arith.mulf %mul3A_142, %div3A_125 : vector<16xf32>
          %mul3A_144 = arith.mulf %mul3A_143, %add3A_140 : vector<16xf32>
          %mul3A_145 = arith.mulf %exp3A, %div3A_121 : vector<16xf32>
          %add3A_146 = arith.addf %abs3A, %mul3A_144 : vector<16xf32>
          %mul3A_147 = arith.mulf %div3A_121, %div3A_121 : vector<16xf32>
          %mul3A_148 = arith.mulf %mul3A_147, %add3A_146 : vector<16xf32>
          %mul3A_149 = arith.mulf %mul3A_145, %mul3A_145 : vector<16xf32>
          %mul3A_150 = arith.mulf %mul3A_149, %mul3A_144 : vector<16xf32>
          %gt3A = arith.constant 0.000000e+00 : f32
          %gt3A_151 = vector.broadcast %gt3A : f32 to vector<16xf32>
          %gt3A_152 = arith.cmpf ogt, %get3A_114, %gt3A_151 : vector<16xf32>
          %ge3A = arith.constant 0.000000e+00 : f32
          %ge3A_153 = vector.broadcast %ge3A : f32 to vector<16xf32>
          %ge3A_154 = arith.cmpf oge, %get3A_106, %ge3A_153 : vector<16xf32>
          %ne3A = arith.xori %ge3A_154, %gt3A_152 : vector<16xi1>
          %select_n3A_155 = arith.select %ne3A, %mul3A_148, %mul3A_150 : vector<16xi1>, vector<16xf32>
          %jit3A_156 = arith.constant 2.500000e-01 : f32
          %jit3A_157 = arith.constant 7.500000e-01 : f32
          %broadcast_in_dim3A_158 = vector.broadcast %jit3A_156 : f32 to vector<16xf32>
          %broadcast_in_dim3A_159 = vector.broadcast %jit3A_157 : f32 to vector<16xf32>
          %select_n3A_160 = arith.select %gt3A_152, %broadcast_in_dim3A_158, %broadcast_in_dim3A_159 : vector<16xi1>, vector<16xf32>
          %mul3A_161 = arith.mulf %select_n3A_160, %select_n3A_155 : vector<16xf32>
          %add3A_162 = arith.addf %scan3A_98, %mul3A_161 : vector<16xf32>
          %max3A = arith.maximumf %scan3A_99, %get3A_114 : vector<16xf32>
          %get3A_163 = arith.constant 0 : i32
          %get3A_164 = arith.constant 1 : i32
          %get3A_165 = arith.index_cast %scan3A_97 : i32 to index
          %get3A_166 = arith.index_cast %get3A_163 : i32 to index
          %get3A_167 = arith.index_cast %get3A_164 : i32 to index
          %get3A_168 = arith.index_cast %mul3A_87 : i32 to index
          %get3A_169 = tpu.vector_load %arg6[%get3A_165, %get3A_166, %get3A_167, %get3A_168] {strides = array<i32>} : memref<10x1x8x128xf32, #tpu.memory_space<vmem>>, vector<1x1x1x16xf32>,
          %get3A_170 = vector.shape_cast %get3A_169 : vector<1x1x1x16xf32> to vector<16xf32>
          %get3A_171 = arith.constant 0 : i32
          %get3A_172 = arith.constant 1 : i32
          %get3A_173 = arith.index_cast %scan3A_97 : i32 to index
          %get3A_174 = arith.index_cast %get3A_171 : i32 to index
          %get3A_175 = arith.index_cast %get3A_172 : i32 to index
          %get3A_176 = arith.index_cast %mul3A_87 : i32 to index
          %get3A_177 = tpu.vector_load %arg7[%get3A_173, %get3A_174, %get3A_175, %get3A_176] {strides = array<i32>} : memref<10x1x8x128xf32, #tpu.memory_space<vmem>>, vector<1x1x1x16xf32>,
          %get3A_178 = vector.shape_cast %get3A_177 : vector<1x1x1x16xf32> to vector<16xf32>
          %abs3A_179 = math.absf %get3A_170 : vector<16xf32>
          %neg3A_180 = arith.constant 0.000000e+00 : f32
          %neg3A_181 = vector.broadcast %neg3A_180 : f32 to vector<16xf32>
          %neg3A_182 = arith.subf %neg3A_181, %abs3A_179 : vector<16xf32>
          %exp3A_183 = math.exp %neg3A_182 : vector<16xf32>
          %add3A_184 = arith.constant 1.000000e+00 : f32
          %add3A_185 = vector.broadcast %add3A_184 : f32 to vector<16xf32>
          %add3A_186 = arith.addf %add3A_185, %exp3A_183 : vector<16xf32>
          %div3A_187 = arith.constant 1.000000e+00 : f32
          %div3A_188 = vector.broadcast %div3A_187 : f32 to vector<16xf32>
          %div3A_189 = arith.divf %div3A_188, %add3A_186 : vector<16xf32>
          %add3A_190 = arith.constant 2.000000e+00 : f32
          %add3A_191 = vector.broadcast %add3A_190 : f32 to vector<16xf32>
          %add3A_192 = arith.addf %add3A_191, %exp3A_183 : vector<16xf32>
          %div3A_193 = arith.divf %exp3A_183, %add3A_192 : vector<16xf32>
          %mul3A_194 = arith.mulf %div3A_193, %div3A_193 : vector<16xf32>
          %mul3A_195 = arith.constant 0.142857149 : f32
          %mul3A_196 = vector.broadcast %mul3A_195 : f32 to vector<16xf32>
          %mul3A_197 = arith.mulf %mul3A_194, %mul3A_196 : vector<16xf32>
          %add3A_198 = arith.constant 2.000000e-01 : f32
          %add3A_199 = vector.broadcast %add3A_198 : f32 to vector<16xf32>
          %add3A_200 = arith.addf %add3A_199, %mul3A_197 : vector<16xf32>
          %mul3A_201 = arith.mulf %mul3A_194, %add3A_200 : vector<16xf32>
          %add3A_202 = arith.constant 0.333333343 : f32
          %add3A_203 = vector.broadcast %add3A_202 : f32 to vector<16xf32>
          %add3A_204 = arith.addf %add3A_203, %mul3A_201 : vector<16xf32>
          %mul3A_205 = arith.mulf %mul3A_194, %add3A_204 : vector<16xf32>
          %add3A_206 = arith.constant 1.000000e+00 : f32
          %add3A_207 = vector.broadcast %add3A_206 : f32 to vector<16xf32>
          %add3A_208 = arith.addf %add3A_207, %mul3A_205 : vector<16xf32>
          %mul3A_209 = arith.constant 2.000000e+00 : f32
          %mul3A_210 = vector.broadcast %mul3A_209 : f32 to vector<16xf32>
          %mul3A_211 = arith.mulf %mul3A_210, %div3A_193 : vector<16xf32>
          %mul3A_212 = arith.mulf %mul3A_211, %add3A_208 : vector<16xf32>
          %mul3A_213 = arith.mulf %exp3A_183, %div3A_189 : vector<16xf32>
          %add3A_214 = arith.addf %abs3A_179, %mul3A_212 : vector<16xf32>
          %mul3A_215 = arith.mulf %div3A_189, %div3A_189 : vector<16xf32>
          %mul3A_216 = arith.mulf %mul3A_215, %add3A_214 : vector<16xf32>
          %mul3A_217 = arith.mulf %mul3A_213, %mul3A_213 : vector<16xf32>
          %mul3A_218 = arith.mulf %mul3A_217, %mul3A_212 : vector<16xf32>
          %gt3A_219 = arith.constant 0.000000e+00 : f32
          %gt3A_220 = vector.broadcast %gt3A_219 : f32 to vector<16xf32>
          %gt3A_221 = arith.cmpf ogt, %get3A_178, %gt3A_220 : vector<16xf32>
          %ge3A_222 = arith.constant 0.000000e+00 : f32
          %ge3A_223 = vector.broadcast %ge3A_222 : f32 to vector<16xf32>
          %ge3A_224 = arith.cmpf oge, %get3A_170, %ge3A_223 : vector<16xf32>
          %ne3A_225 = arith.xori %ge3A_224, %gt3A_221 : vector<16xi1>
          %select_n3A_226 = arith.select %ne3A_225, %mul3A_216, %mul3A_218 : vector<16xi1>, vector<16xf32>
          %jit3A_227 = arith.constant 2.500000e-01 : f32
          %jit3A_228 = arith.constant 7.500000e-01 : f32
          %broadcast_in_dim3A_229 = vector.broadcast %jit3A_227 : f32 to vector<16xf32>
          %broadcast_in_dim3A_230 = vector.broadcast %jit3A_228 : f32 to vector<16xf32>
          %select_n3A_231 = arith.select %gt3A_221, %broadcast_in_dim3A_229, %broadcast_in_dim3A_230 : vector<16xi1>, vector<16xf32>
          %mul3A_232 = arith.mulf %select_n3A_231, %select_n3A_226 : vector<16xf32>
          %add3A_233 = arith.addf %add3A_162, %mul3A_232 : vector<16xf32>
          %max3A_234 = arith.maximumf %max3A, %get3A_178 : vector<16xf32>
          %get3A_235 = arith.constant 0 : i32
          %get3A_236 = arith.constant 2 : i32
          %get3A_237 = arith.index_cast %scan3A_97 : i32 to index
          %get3A_238 = arith.index_cast %get3A_235 : i32 to index
          %get3A_239 = arith.index_cast %get3A_236 : i32 to index
          %get3A_240 = arith.index_cast %mul3A_87 : i32 to index
          %get3A_241 = tpu.vector_load %arg6[%get3A_237, %get3A_238, %get3A_239, %get3A_240] {strides = array<i32>} : memref<10x1x8x128xf32, #tpu.memory_space<vmem>>, vector<1x1x1x16xf32>,
          %get3A_242 = vector.shape_cast %get3A_241 : vector<1x1x1x16xf32> to vector<16xf32>
          %get3A_243 = arith.constant 0 : i32
          %get3A_244 = arith.constant 2 : i32
          %get3A_245 = arith.index_cast %scan3A_97 : i32 to index
          %get3A_246 = arith.index_cast %get3A_243 : i32 to index
          %get3A_247 = arith.index_cast %get3A_244 : i32 to index
          %get3A_248 = arith.index_cast %mul3A_87 : i32 to index
          %get3A_249 = tpu.vector_load %arg7[%get3A_245, %get3A_246, %get3A_247, %get3A_248] {strides = array<i32>} : memref<10x1x8x128xf32, #tpu.memory_space<vmem>>, vector<1x1x1x16xf32>,
          %get3A_250 = vector.shape_cast %get3A_249 : vector<1x1x1x16xf32> to vector<16xf32>
          %abs3A_251 = math.absf %get3A_242 : vector<16xf32>
          %neg3A_252 = arith.constant 0.000000e+00 : f32
          %neg3A_253 = vector.broadcast %neg3A_252 : f32 to vector<16xf32>
          %neg3A_254 = arith.subf %neg3A_253, %abs3A_251 : vector<16xf32>
          %exp3A_255 = math.exp %neg3A_254 : vector<16xf32>
          %add3A_256 = arith.constant 1.000000e+00 : f32
          %add3A_257 = vector.broadcast %add3A_256 : f32 to vector<16xf32>
          %add3A_258 = arith.addf %add3A_257, %exp3A_255 : vector<16xf32>
          %div3A_259 = arith.constant 1.000000e+00 : f32
          %div3A_260 = vector.broadcast %div3A_259 : f32 to vector<16xf32>
          %div3A_261 = arith.divf %div3A_260, %add3A_258 : vector<16xf32>
          %add3A_262 = arith.constant 2.000000e+00 : f32
          %add3A_263 = vector.broadcast %add3A_262 : f32 to vector<16xf32>
          %add3A_264 = arith.addf %add3A_263, %exp3A_255 : vector<16xf32>
          %div3A_265 = arith.divf %exp3A_255, %add3A_264 : vector<16xf32>
          %mul3A_266 = arith.mulf %div3A_265, %div3A_265 : vector<16xf32>
          %mul3A_267 = arith.constant 0.142857149 : f32
          %mul3A_268 = vector.broadcast %mul3A_267 : f32 to vector<16xf32>
          %mul3A_269 = arith.mulf %mul3A_266, %mul3A_268 : vector<16xf32>
          %add3A_270 = arith.constant 2.000000e-01 : f32
          %add3A_271 = vector.broadcast %add3A_270 : f32 to vector<16xf32>
          %add3A_272 = arith.addf %add3A_271, %mul3A_269 : vector<16xf32>
          %mul3A_273 = arith.mulf %mul3A_266, %add3A_272 : vector<16xf32>
          %add3A_274 = arith.constant 0.333333343 : f32
          %add3A_275 = vector.broadcast %add3A_274 : f32 to vector<16xf32>
          %add3A_276 = arith.addf %add3A_275, %mul3A_273 : vector<16xf32>
          %mul3A_277 = arith.mulf %mul3A_266, %add3A_276 : vector<16xf32>
          %add3A_278 = arith.constant 1.000000e+00 : f32
          %add3A_279 = vector.broadcast %add3A_278 : f32 to vector<16xf32>
          %add3A_280 = arith.addf %add3A_279, %mul3A_277 : vector<16xf32>
          %mul3A_281 = arith.constant 2.000000e+00 : f32
          %mul3A_282 = vector.broadcast %mul3A_281 : f32 to vector<16xf32>
          %mul3A_283 = arith.mulf %mul3A_282, %div3A_265 : vector<16xf32>
          %mul3A_284 = arith.mulf %mul3A_283, %add3A_280 : vector<16xf32>
          %mul3A_285 = arith.mulf %exp3A_255, %div3A_261 : vector<16xf32>
          %add3A_286 = arith.addf %abs3A_251, %mul3A_284 : vector<16xf32>
          %mul3A_287 = arith.mulf %div3A_261, %div3A_261 : vector<16xf32>
          %mul3A_288 = arith.mulf %mul3A_287, %add3A_286 : vector<16xf32>
          %mul3A_289 = arith.mulf %mul3A_285, %mul3A_285 : vector<16xf32>
          %mul3A_290 = arith.mulf %mul3A_289, %mul3A_284 : vector<16xf32>
          %gt3A_291 = arith.constant 0.000000e+00 : f32
          %gt3A_292 = vector.broadcast %gt3A_291 : f32 to vector<16xf32>
          %gt3A_293 = arith.cmpf ogt, %get3A_250, %gt3A_292 : vector<16xf32>
          %ge3A_294 = arith.constant 0.000000e+00 : f32
          %ge3A_295 = vector.broadcast %ge3A_294 : f32 to vector<16xf32>
          %ge3A_296 = arith.cmpf oge, %get3A_242, %ge3A_295 : vector<16xf32>
          %ne3A_297 = arith.xori %ge3A_296, %gt3A_293 : vector<16xi1>
          %select_n3A_298 = arith.select %ne3A_297, %mul3A_288, %mul3A_290 : vector<16xi1>, vector<16xf32>
          %jit3A_299 = arith.constant 2.500000e-01 : f32
          %jit3A_300 = arith.constant 7.500000e-01 : f32
          %broadcast_in_dim3A_301 = vector.broadcast %jit3A_299 : f32 to vector<16xf32>
          %broadcast_in_dim3A_302 = vector.broadcast %jit3A_300 : f32 to vector<16xf32>
          %select_n3A_303 = arith.select %gt3A_293, %broadcast_in_dim3A_301, %broadcast_in_dim3A_302 : vector<16xi1>, vector<16xf32>
          %mul3A_304 = arith.mulf %select_n3A_303, %select_n3A_298 : vector<16xf32>
          %add3A_305 = arith.addf %add3A_233, %mul3A_304 : vector<16xf32>
          %max3A_306 = arith.maximumf %max3A_234, %get3A_250 : vector<16xf32>
          %get3A_307 = arith.constant 0 : i32
          %get3A_308 = arith.constant 3 : i32
          %get3A_309 = arith.index_cast %scan3A_97 : i32 to index
          %get3A_310 = arith.index_cast %get3A_307 : i32 to index
          %get3A_311 = arith.index_cast %get3A_308 : i32 to index
          %get3A_312 = arith.index_cast %mul3A_87 : i32 to index
          %get3A_313 = tpu.vector_load %arg6[%get3A_309, %get3A_310, %get3A_311, %get3A_312] {strides = array<i32>} : memref<10x1x8x128xf32, #tpu.memory_space<vmem>>, vector<1x1x1x16xf32>,
          %get3A_314 = vector.shape_cast %get3A_313 : vector<1x1x1x16xf32> to vector<16xf32>
          %get3A_315 = arith.constant 0 : i32
          %get3A_316 = arith.constant 3 : i32
          %get3A_317 = arith.index_cast %scan3A_97 : i32 to index
          %get3A_318 = arith.index_cast %get3A_315 : i32 to index
          %get3A_319 = arith.index_cast %get3A_316 : i32 to index
          %get3A_320 = arith.index_cast %mul3A_87 : i32 to index
          %get3A_321 = tpu.vector_load %arg7[%get3A_317, %get3A_318, %get3A_319, %get3A_320] {strides = array<i32>} : memref<10x1x8x128xf32, #tpu.memory_space<vmem>>, vector<1x1x1x16xf32>,
          %get3A_322 = vector.shape_cast %get3A_321 : vector<1x1x1x16xf32> to vector<16xf32>
          %abs3A_323 = math.absf %get3A_314 : vector<16xf32>
          %neg3A_324 = arith.constant 0.000000e+00 : f32
          %neg3A_325 = vector.broadcast %neg3A_324 : f32 to vector<16xf32>
          %neg3A_326 = arith.subf %neg3A_325, %abs3A_323 : vector<16xf32>
          %exp3A_327 = math.exp %neg3A_326 : vector<16xf32>
          %add3A_328 = arith.constant 1.000000e+00 : f32
          %add3A_329 = vector.broadcast %add3A_328 : f32 to vector<16xf32>
          %add3A_330 = arith.addf %add3A_329, %exp3A_327 : vector<16xf32>
          %div3A_331 = arith.constant 1.000000e+00 : f32
          %div3A_332 = vector.broadcast %div3A_331 : f32 to vector<16xf32>
          %div3A_333 = arith.divf %div3A_332, %add3A_330 : vector<16xf32>
          %add3A_334 = arith.constant 2.000000e+00 : f32
          %add3A_335 = vector.broadcast %add3A_334 : f32 to vector<16xf32>
          %add3A_336 = arith.addf %add3A_335, %exp3A_327 : vector<16xf32>
          %div3A_337 = arith.divf %exp3A_327, %add3A_336 : vector<16xf32>
          %mul3A_338 = arith.mulf %div3A_337, %div3A_337 : vector<16xf32>
          %mul3A_339 = arith.constant 0.142857149 : f32
          %mul3A_340 = vector.broadcast %mul3A_339 : f32 to vector<16xf32>
          %mul3A_341 = arith.mulf %mul3A_338, %mul3A_340 : vector<16xf32>
          %add3A_342 = arith.constant 2.000000e-01 : f32
          %add3A_343 = vector.broadcast %add3A_342 : f32 to vector<16xf32>
          %add3A_344 = arith.addf %add3A_343, %mul3A_341 : vector<16xf32>
          %mul3A_345 = arith.mulf %mul3A_338, %add3A_344 : vector<16xf32>
          %add3A_346 = arith.constant 0.333333343 : f32
          %add3A_347 = vector.broadcast %add3A_346 : f32 to vector<16xf32>
          %add3A_348 = arith.addf %add3A_347, %mul3A_345 : vector<16xf32>
          %mul3A_349 = arith.mulf %mul3A_338, %add3A_348 : vector<16xf32>
          %add3A_350 = arith.constant 1.000000e+00 : f32
          %add3A_351 = vector.broadcast %add3A_350 : f32 to vector<16xf32>
          %add3A_352 = arith.addf %add3A_351, %mul3A_349 : vector<16xf32>
          %mul3A_353 = arith.constant 2.000000e+00 : f32
          %mul3A_354 = vector.broadcast %mul3A_353 : f32 to vector<16xf32>
          %mul3A_355 = arith.mulf %mul3A_354, %div3A_337 : vector<16xf32>
          %mul3A_356 = arith.mulf %mul3A_355, %add3A_352 : vector<16xf32>
          %mul3A_357 = arith.mulf %exp3A_327, %div3A_333 : vector<16xf32>
          %add3A_358 = arith.addf %abs3A_323, %mul3A_356 : vector<16xf32>
          %mul3A_359 = arith.mulf %div3A_333, %div3A_333 : vector<16xf32>
          %mul3A_360 = arith.mulf %mul3A_359, %add3A_358 : vector<16xf32>
          %mul3A_361 = arith.mulf %mul3A_357, %mul3A_357 : vector<16xf32>
          %mul3A_362 = arith.mulf %mul3A_361, %mul3A_356 : vector<16xf32>
          %gt3A_363 = arith.constant 0.000000e+00 : f32
          %gt3A_364 = vector.broadcast %gt3A_363 : f32 to vector<16xf32>
          %gt3A_365 = arith.cmpf ogt, %get3A_322, %gt3A_364 : vector<16xf32>
          %ge3A_366 = arith.constant 0.000000e+00 : f32
          %ge3A_367 = vector.broadcast %ge3A_366 : f32 to vector<16xf32>
          %ge3A_368 = arith.cmpf oge, %get3A_314, %ge3A_367 : vector<16xf32>
          %ne3A_369 = arith.xori %ge3A_368, %gt3A_365 : vector<16xi1>
          %select_n3A_370 = arith.select %ne3A_369, %mul3A_360, %mul3A_362 : vector<16xi1>, vector<16xf32>
          %jit3A_371 = arith.constant 2.500000e-01 : f32
          %jit3A_372 = arith.constant 7.500000e-01 : f32
          %broadcast_in_dim3A_373 = vector.broadcast %jit3A_371 : f32 to vector<16xf32>
          %broadcast_in_dim3A_374 = vector.broadcast %jit3A_372 : f32 to vector<16xf32>
          %select_n3A_375 = arith.select %gt3A_365, %broadcast_in_dim3A_373, %broadcast_in_dim3A_374 : vector<16xi1>, vector<16xf32>
          %mul3A_376 = arith.mulf %select_n3A_375, %select_n3A_370 : vector<16xf32>
          %add3A_377 = arith.addf %add3A_305, %mul3A_376 : vector<16xf32>
          %max3A_378 = arith.maximumf %max3A_306, %get3A_322 : vector<16xf32>
          %get3A_379 = arith.constant 0 : i32
          %get3A_380 = arith.constant 4 : i32
          %get3A_381 = arith.index_cast %scan3A_97 : i32 to index
          %get3A_382 = arith.index_cast %get3A_379 : i32 to index
          %get3A_383 = arith.index_cast %get3A_380 : i32 to index
          %get3A_384 = arith.index_cast %mul3A_87 : i32 to index
          %get3A_385 = tpu.vector_load %arg6[%get3A_381, %get3A_382, %get3A_383, %get3A_384] {strides = array<i32>} : memref<10x1x8x128xf32, #tpu.memory_space<vmem>>, vector<1x1x1x16xf32>,
          %get3A_386 = vector.shape_cast %get3A_385 : vector<1x1x1x16xf32> to vector<16xf32>
          %get3A_387 = arith.constant 0 : i32
          %get3A_388 = arith.constant 4 : i32
          %get3A_389 = arith.index_cast %scan3A_97 : i32 to index
          %get3A_390 = arith.index_cast %get3A_387 : i32 to index
          %get3A_391 = arith.index_cast %get3A_388 : i32 to index
          %get3A_392 = arith.index_cast %mul3A_87 : i32 to index
          %get3A_393 = tpu.vector_load %arg7[%get3A_389, %get3A_390, %get3A_391, %get3A_392] {strides = array<i32>} : memref<10x1x8x128xf32, #tpu.memory_space<vmem>>, vector<1x1x1x16xf32>,
          %get3A_394 = vector.shape_cast %get3A_393 : vector<1x1x1x16xf32> to vector<16xf32>
          %abs3A_395 = math.absf %get3A_386 : vector<16xf32>
          %neg3A_396 = arith.constant 0.000000e+00 : f32
          %neg3A_397 = vector.broadcast %neg3A_396 : f32 to vector<16xf32>
          %neg3A_398 = arith.subf %neg3A_397, %abs3A_395 : vector<16xf32>
          %exp3A_399 = math.exp %neg3A_398 : vector<16xf32>
          %add3A_400 = arith.constant 1.000000e+00 : f32
          %add3A_401 = vector.broadcast %add3A_400 : f32 to vector<16xf32>
          %add3A_402 = arith.addf %add3A_401, %exp3A_399 : vector<16xf32>
          %div3A_403 = arith.constant 1.000000e+00 : f32
          %div3A_404 = vector.broadcast %div3A_403 : f32 to vector<16xf32>
          %div3A_405 = arith.divf %div3A_404, %add3A_402 : vector<16xf32>
          %add3A_406 = arith.constant 2.000000e+00 : f32
          %add3A_407 = vector.broadcast %add3A_406 : f32 to vector<16xf32>
          %add3A_408 = arith.addf %add3A_407, %exp3A_399 : vector<16xf32>
          %div3A_409 = arith.divf %exp3A_399, %add3A_408 : vector<16xf32>
          %mul3A_410 = arith.mulf %div3A_409, %div3A_409 : vector<16xf32>
          %mul3A_411 = arith.constant 0.142857149 : f32
          %mul3A_412 = vector.broadcast %mul3A_411 : f32 to vector<16xf32>
          %mul3A_413 = arith.mulf %mul3A_410, %mul3A_412 : vector<16xf32>
          %add3A_414 = arith.constant 2.000000e-01 : f32
          %add3A_415 = vector.broadcast %add3A_414 : f32 to vector<16xf32>
          %add3A_416 = arith.addf %add3A_415, %mul3A_413 : vector<16xf32>
          %mul3A_417 = arith.mulf %mul3A_410, %add3A_416 : vector<16xf32>
          %add3A_418 = arith.constant 0.333333343 : f32
          %add3A_419 = vector.broadcast %add3A_418 : f32 to vector<16xf32>
          %add3A_420 = arith.addf %add3A_419, %mul3A_417 : vector<16xf32>
          %mul3A_421 = arith.mulf %mul3A_410, %add3A_420 : vector<16xf32>
          %add3A_422 = arith.constant 1.000000e+00 : f32
          %add3A_423 = vector.broadcast %add3A_422 : f32 to vector<16xf32>
          %add3A_424 = arith.addf %add3A_423, %mul3A_421 : vector<16xf32>
          %mul3A_425 = arith.constant 2.000000e+00 : f32
          %mul3A_426 = vector.broadcast %mul3A_425 : f32 to vector<16xf32>
          %mul3A_427 = arith.mulf %mul3A_426, %div3A_409 : vector<16xf32>
          %mul3A_428 = arith.mulf %mul3A_427, %add3A_424 : vector<16xf32>
          %mul3A_429 = arith.mulf %exp3A_399, %div3A_405 : vector<16xf32>
          %add3A_430 = arith.addf %abs3A_395, %mul3A_428 : vector<16xf32>
          %mul3A_431 = arith.mulf %div3A_405, %div3A_405 : vector<16xf32>
          %mul3A_432 = arith.mulf %mul3A_431, %add3A_430 : vector<16xf32>
          %mul3A_433 = arith.mulf %mul3A_429, %mul3A_429 : vector<16xf32>
          %mul3A_434 = arith.mulf %mul3A_433, %mul3A_428 : vector<16xf32>
          %gt3A_435 = arith.constant 0.000000e+00 : f32
          %gt3A_436 = vector.broadcast %gt3A_435 : f32 to vector<16xf32>
          %gt3A_437 = arith.cmpf ogt, %get3A_394, %gt3A_436 : vector<16xf32>
          %ge3A_438 = arith.constant 0.000000e+00 : f32
          %ge3A_439 = vector.broadcast %ge3A_438 : f32 to vector<16xf32>
          %ge3A_440 = arith.cmpf oge, %get3A_386, %ge3A_439 : vector<16xf32>
          %ne3A_441 = arith.xori %ge3A_440, %gt3A_437 : vector<16xi1>
          %select_n3A_442 = arith.select %ne3A_441, %mul3A_432, %mul3A_434 : vector<16xi1>, vector<16xf32>
          %jit3A_443 = arith.constant 2.500000e-01 : f32
          %jit3A_444 = arith.constant 7.500000e-01 : f32
          %broadcast_in_dim3A_445 = vector.broadcast %jit3A_443 : f32 to vector<16xf32>
          %broadcast_in_dim3A_446 = vector.broadcast %jit3A_444 : f32 to vector<16xf32>
          %select_n3A_447 = arith.select %gt3A_437, %broadcast_in_dim3A_445, %broadcast_in_dim3A_446 : vector<16xi1>, vector<16xf32>
          %mul3A_448 = arith.mulf %select_n3A_447, %select_n3A_442 : vector<16xf32>
          %add3A_449 = arith.addf %add3A_377, %mul3A_448 : vector<16xf32>
          %max3A_450 = arith.maximumf %max3A_378, %get3A_394 : vector<16xf32>
          %get3A_451 = arith.constant 0 : i32
          %get3A_452 = arith.constant 5 : i32
          %get3A_453 = arith.index_cast %scan3A_97 : i32 to index
          %get3A_454 = arith.index_cast %get3A_451 : i32 to index
          %get3A_455 = arith.index_cast %get3A_452 : i32 to index
          %get3A_456 = arith.index_cast %mul3A_87 : i32 to index
          %get3A_457 = tpu.vector_load %arg6[%get3A_453, %get3A_454, %get3A_455, %get3A_456] {strides = array<i32>} : memref<10x1x8x128xf32, #tpu.memory_space<vmem>>, vector<1x1x1x16xf32>,
          %get3A_458 = vector.shape_cast %get3A_457 : vector<1x1x1x16xf32> to vector<16xf32>
          %get3A_459 = arith.constant 0 : i32
          %get3A_460 = arith.constant 5 : i32
          %get3A_461 = arith.index_cast %scan3A_97 : i32 to index
          %get3A_462 = arith.index_cast %get3A_459 : i32 to index
          %get3A_463 = arith.index_cast %get3A_460 : i32 to index
          %get3A_464 = arith.index_cast %mul3A_87 : i32 to index
          %get3A_465 = tpu.vector_load %arg7[%get3A_461, %get3A_462, %get3A_463, %get3A_464] {strides = array<i32>} : memref<10x1x8x128xf32, #tpu.memory_space<vmem>>, vector<1x1x1x16xf32>,
          %get3A_466 = vector.shape_cast %get3A_465 : vector<1x1x1x16xf32> to vector<16xf32>
          %abs3A_467 = math.absf %get3A_458 : vector<16xf32>
          %neg3A_468 = arith.constant 0.000000e+00 : f32
          %neg3A_469 = vector.broadcast %neg3A_468 : f32 to vector<16xf32>
          %neg3A_470 = arith.subf %neg3A_469, %abs3A_467 : vector<16xf32>
          %exp3A_471 = math.exp %neg3A_470 : vector<16xf32>
          %add3A_472 = arith.constant 1.000000e+00 : f32
          %add3A_473 = vector.broadcast %add3A_472 : f32 to vector<16xf32>
          %add3A_474 = arith.addf %add3A_473, %exp3A_471 : vector<16xf32>
          %div3A_475 = arith.constant 1.000000e+00 : f32
          %div3A_476 = vector.broadcast %div3A_475 : f32 to vector<16xf32>
          %div3A_477 = arith.divf %div3A_476, %add3A_474 : vector<16xf32>
          %add3A_478 = arith.constant 2.000000e+00 : f32
          %add3A_479 = vector.broadcast %add3A_478 : f32 to vector<16xf32>
          %add3A_480 = arith.addf %add3A_479, %exp3A_471 : vector<16xf32>
          %div3A_481 = arith.divf %exp3A_471, %add3A_480 : vector<16xf32>
          %mul3A_482 = arith.mulf %div3A_481, %div3A_481 : vector<16xf32>
          %mul3A_483 = arith.constant 0.142857149 : f32
          %mul3A_484 = vector.broadcast %mul3A_483 : f32 to vector<16xf32>
          %mul3A_485 = arith.mulf %mul3A_482, %mul3A_484 : vector<16xf32>
          %add3A_486 = arith.constant 2.000000e-01 : f32
          %add3A_487 = vector.broadcast %add3A_486 : f32 to vector<16xf32>
          %add3A_488 = arith.addf %add3A_487, %mul3A_485 : vector<16xf32>
          %mul3A_489 = arith.mulf %mul3A_482, %add3A_488 : vector<16xf32>
          %add3A_490 = arith.constant 0.333333343 : f32
          %add3A_491 = vector.broadcast %add3A_490 : f32 to vector<16xf32>
          %add3A_492 = arith.addf %add3A_491, %mul3A_489 : vector<16xf32>
          %mul3A_493 = arith.mulf %mul3A_482, %add3A_492 : vector<16xf32>
          %add3A_494 = arith.constant 1.000000e+00 : f32
          %add3A_495 = vector.broadcast %add3A_494 : f32 to vector<16xf32>
          %add3A_496 = arith.addf %add3A_495, %mul3A_493 : vector<16xf32>
          %mul3A_497 = arith.constant 2.000000e+00 : f32
          %mul3A_498 = vector.broadcast %mul3A_497 : f32 to vector<16xf32>
          %mul3A_499 = arith.mulf %mul3A_498, %div3A_481 : vector<16xf32>
          %mul3A_500 = arith.mulf %mul3A_499, %add3A_496 : vector<16xf32>
          %mul3A_501 = arith.mulf %exp3A_471, %div3A_477 : vector<16xf32>
          %add3A_502 = arith.addf %abs3A_467, %mul3A_500 : vector<16xf32>
          %mul3A_503 = arith.mulf %div3A_477, %div3A_477 : vector<16xf32>
          %mul3A_504 = arith.mulf %mul3A_503, %add3A_502 : vector<16xf32>
          %mul3A_505 = arith.mulf %mul3A_501, %mul3A_501 : vector<16xf32>
          %mul3A_506 = arith.mulf %mul3A_505, %mul3A_500 : vector<16xf32>
          %gt3A_507 = arith.constant 0.000000e+00 : f32
          %gt3A_508 = vector.broadcast %gt3A_507 : f32 to vector<16xf32>
          %gt3A_509 = arith.cmpf ogt, %get3A_466, %gt3A_508 : vector<16xf32>
          %ge3A_510 = arith.constant 0.000000e+00 : f32
          %ge3A_511 = vector.broadcast %ge3A_510 : f32 to vector<16xf32>
          %ge3A_512 = arith.cmpf oge, %get3A_458, %ge3A_511 : vector<16xf32>
          %ne3A_513 = arith.xori %ge3A_512, %gt3A_509 : vector<16xi1>
          %select_n3A_514 = arith.select %ne3A_513, %mul3A_504, %mul3A_506 : vector<16xi1>, vector<16xf32>
          %jit3A_515 = arith.constant 2.500000e-01 : f32
          %jit3A_516 = arith.constant 7.500000e-01 : f32
          %broadcast_in_dim3A_517 = vector.broadcast %jit3A_515 : f32 to vector<16xf32>
          %broadcast_in_dim3A_518 = vector.broadcast %jit3A_516 : f32 to vector<16xf32>
          %select_n3A_519 = arith.select %gt3A_509, %broadcast_in_dim3A_517, %broadcast_in_dim3A_518 : vector<16xi1>, vector<16xf32>
          %mul3A_520 = arith.mulf %select_n3A_519, %select_n3A_514 : vector<16xf32>
          %add3A_521 = arith.addf %add3A_449, %mul3A_520 : vector<16xf32>
          %max3A_522 = arith.maximumf %max3A_450, %get3A_466 : vector<16xf32>
          %get3A_523 = arith.constant 0 : i32
          %get3A_524 = arith.constant 6 : i32
          %get3A_525 = arith.index_cast %scan3A_97 : i32 to index
          %get3A_526 = arith.index_cast %get3A_523 : i32 to index
          %get3A_527 = arith.index_cast %get3A_524 : i32 to index
          %get3A_528 = arith.index_cast %mul3A_87 : i32 to index
          %get3A_529 = tpu.vector_load %arg6[%get3A_525, %get3A_526, %get3A_527, %get3A_528] {strides = array<i32>} : memref<10x1x8x128xf32, #tpu.memory_space<vmem>>, vector<1x1x1x16xf32>,
          %get3A_530 = vector.shape_cast %get3A_529 : vector<1x1x1x16xf32> to vector<16xf32>
          %get3A_531 = arith.constant 0 : i32
          %get3A_532 = arith.constant 6 : i32
          %get3A_533 = arith.index_cast %scan3A_97 : i32 to index
          %get3A_534 = arith.index_cast %get3A_531 : i32 to index
          %get3A_535 = arith.index_cast %get3A_532 : i32 to index
          %get3A_536 = arith.index_cast %mul3A_87 : i32 to index
          %get3A_537 = tpu.vector_load %arg7[%get3A_533, %get3A_534, %get3A_535, %get3A_536] {strides = array<i32>} : memref<10x1x8x128xf32, #tpu.memory_space<vmem>>, vector<1x1x1x16xf32>,
          %get3A_538 = vector.shape_cast %get3A_537 : vector<1x1x1x16xf32> to vector<16xf32>
          %abs3A_539 = math.absf %get3A_530 : vector<16xf32>
          %neg3A_540 = arith.constant 0.000000e+00 : f32
          %neg3A_541 = vector.broadcast %neg3A_540 : f32 to vector<16xf32>
          %neg3A_542 = arith.subf %neg3A_541, %abs3A_539 : vector<16xf32>
          %exp3A_543 = math.exp %neg3A_542 : vector<16xf32>
          %add3A_544 = arith.constant 1.000000e+00 : f32
          %add3A_545 = vector.broadcast %add3A_544 : f32 to vector<16xf32>
          %add3A_546 = arith.addf %add3A_545, %exp3A_543 : vector<16xf32>
          %div3A_547 = arith.constant 1.000000e+00 : f32
          %div3A_548 = vector.broadcast %div3A_547 : f32 to vector<16xf32>
          %div3A_549 = arith.divf %div3A_548, %add3A_546 : vector<16xf32>
          %add3A_550 = arith.constant 2.000000e+00 : f32
          %add3A_551 = vector.broadcast %add3A_550 : f32 to vector<16xf32>
          %add3A_552 = arith.addf %add3A_551, %exp3A_543 : vector<16xf32>
          %div3A_553 = arith.divf %exp3A_543, %add3A_552 : vector<16xf32>
          %mul3A_554 = arith.mulf %div3A_553, %div3A_553 : vector<16xf32>
          %mul3A_555 = arith.constant 0.142857149 : f32
          %mul3A_556 = vector.broadcast %mul3A_555 : f32 to vector<16xf32>
          %mul3A_557 = arith.mulf %mul3A_554, %mul3A_556 : vector<16xf32>
          %add3A_558 = arith.constant 2.000000e-01 : f32
          %add3A_559 = vector.broadcast %add3A_558 : f32 to vector<16xf32>
          %add3A_560 = arith.addf %add3A_559, %mul3A_557 : vector<16xf32>
          %mul3A_561 = arith.mulf %mul3A_554, %add3A_560 : vector<16xf32>
          %add3A_562 = arith.constant 0.333333343 : f32
          %add3A_563 = vector.broadcast %add3A_562 : f32 to vector<16xf32>
          %add3A_564 = arith.addf %add3A_563, %mul3A_561 : vector<16xf32>
          %mul3A_565 = arith.mulf %mul3A_554, %add3A_564 : vector<16xf32>
          %add3A_566 = arith.constant 1.000000e+00 : f32
          %add3A_567 = vector.broadcast %add3A_566 : f32 to vector<16xf32>
          %add3A_568 = arith.addf %add3A_567, %mul3A_565 : vector<16xf32>
          %mul3A_569 = arith.constant 2.000000e+00 : f32
          %mul3A_570 = vector.broadcast %mul3A_569 : f32 to vector<16xf32>
          %mul3A_571 = arith.mulf %mul3A_570, %div3A_553 : vector<16xf32>
          %mul3A_572 = arith.mulf %mul3A_571, %add3A_568 : vector<16xf32>
          %mul3A_573 = arith.mulf %exp3A_543, %div3A_549 : vector<16xf32>
          %add3A_574 = arith.addf %abs3A_539, %mul3A_572 : vector<16xf32>
          %mul3A_575 = arith.mulf %div3A_549, %div3A_549 : vector<16xf32>
          %mul3A_576 = arith.mulf %mul3A_575, %add3A_574 : vector<16xf32>
          %mul3A_577 = arith.mulf %mul3A_573, %mul3A_573 : vector<16xf32>
          %mul3A_578 = arith.mulf %mul3A_577, %mul3A_572 : vector<16xf32>
          %gt3A_579 = arith.constant 0.000000e+00 : f32
          %gt3A_580 = vector.broadcast %gt3A_579 : f32 to vector<16xf32>
          %gt3A_581 = arith.cmpf ogt, %get3A_538, %gt3A_580 : vector<16xf32>
          %ge3A_582 = arith.constant 0.000000e+00 : f32
          %ge3A_583 = vector.broadcast %ge3A_582 : f32 to vector<16xf32>
          %ge3A_584 = arith.cmpf oge, %get3A_530, %ge3A_583 : vector<16xf32>
          %ne3A_585 = arith.xori %ge3A_584, %gt3A_581 : vector<16xi1>
          %select_n3A_586 = arith.select %ne3A_585, %mul3A_576, %mul3A_578 : vector<16xi1>, vector<16xf32>
          %jit3A_587 = arith.constant 2.500000e-01 : f32
          %jit3A_588 = arith.constant 7.500000e-01 : f32
          %broadcast_in_dim3A_589 = vector.broadcast %jit3A_587 : f32 to vector<16xf32>
          %broadcast_in_dim3A_590 = vector.broadcast %jit3A_588 : f32 to vector<16xf32>
          %select_n3A_591 = arith.select %gt3A_581, %broadcast_in_dim3A_589, %broadcast_in_dim3A_590 : vector<16xi1>, vector<16xf32>
          %mul3A_592 = arith.mulf %select_n3A_591, %select_n3A_586 : vector<16xf32>
          %add3A_593 = arith.addf %add3A_521, %mul3A_592 : vector<16xf32>
          %max3A_594 = arith.maximumf %max3A_522, %get3A_538 : vector<16xf32>
          %get3A_595 = arith.constant 0 : i32
          %get3A_596 = arith.constant 7 : i32
          %get3A_597 = arith.index_cast %scan3A_97 : i32 to index
          %get3A_598 = arith.index_cast %get3A_595 : i32 to index
          %get3A_599 = arith.index_cast %get3A_596 : i32 to index
          %get3A_600 = arith.index_cast %mul3A_87 : i32 to index
          %get3A_601 = tpu.vector_load %arg6[%get3A_597, %get3A_598, %get3A_599, %get3A_600] {strides = array<i32>} : memref<10x1x8x128xf32, #tpu.memory_space<vmem>>, vector<1x1x1x16xf32>,
          %get3A_602 = vector.shape_cast %get3A_601 : vector<1x1x1x16xf32> to vector<16xf32>
          %get3A_603 = arith.constant 0 : i32
          %get3A_604 = arith.constant 7 : i32
          %get3A_605 = arith.index_cast %scan3A_97 : i32 to index
          %get3A_606 = arith.index_cast %get3A_603 : i32 to index
          %get3A_607 = arith.index_cast %get3A_604 : i32 to index
          %get3A_608 = arith.index_cast %mul3A_87 : i32 to index
          %get3A_609 = tpu.vector_load %arg7[%get3A_605, %get3A_606, %get3A_607, %get3A_608] {strides = array<i32>} : memref<10x1x8x128xf32, #tpu.memory_space<vmem>>, vector<1x1x1x16xf32>,
          %get3A_610 = vector.shape_cast %get3A_609 : vector<1x1x1x16xf32> to vector<16xf32>
          %abs3A_611 = math.absf %get3A_602 : vector<16xf32>
          %neg3A_612 = arith.constant 0.000000e+00 : f32
          %neg3A_613 = vector.broadcast %neg3A_612 : f32 to vector<16xf32>
          %neg3A_614 = arith.subf %neg3A_613, %abs3A_611 : vector<16xf32>
          %exp3A_615 = math.exp %neg3A_614 : vector<16xf32>
          %add3A_616 = arith.constant 1.000000e+00 : f32
          %add3A_617 = vector.broadcast %add3A_616 : f32 to vector<16xf32>
          %add3A_618 = arith.addf %add3A_617, %exp3A_615 : vector<16xf32>
          %div3A_619 = arith.constant 1.000000e+00 : f32
          %div3A_620 = vector.broadcast %div3A_619 : f32 to vector<16xf32>
          %div3A_621 = arith.divf %div3A_620, %add3A_618 : vector<16xf32>
          %add3A_622 = arith.constant 2.000000e+00 : f32
          %add3A_623 = vector.broadcast %add3A_622 : f32 to vector<16xf32>
          %add3A_624 = arith.addf %add3A_623, %exp3A_615 : vector<16xf32>
          %div3A_625 = arith.divf %exp3A_615, %add3A_624 : vector<16xf32>
          %mul3A_626 = arith.mulf %div3A_625, %div3A_625 : vector<16xf32>
          %mul3A_627 = arith.constant 0.142857149 : f32
          %mul3A_628 = vector.broadcast %mul3A_627 : f32 to vector<16xf32>
          %mul3A_629 = arith.mulf %mul3A_626, %mul3A_628 : vector<16xf32>
          %add3A_630 = arith.constant 2.000000e-01 : f32
          %add3A_631 = vector.broadcast %add3A_630 : f32 to vector<16xf32>
          %add3A_632 = arith.addf %add3A_631, %mul3A_629 : vector<16xf32>
          %mul3A_633 = arith.mulf %mul3A_626, %add3A_632 : vector<16xf32>
          %add3A_634 = arith.constant 0.333333343 : f32
          %add3A_635 = vector.broadcast %add3A_634 : f32 to vector<16xf32>
          %add3A_636 = arith.addf %add3A_635, %mul3A_633 : vector<16xf32>
          %mul3A_637 = arith.mulf %mul3A_626, %add3A_636 : vector<16xf32>
          %add3A_638 = arith.constant 1.000000e+00 : f32
          %add3A_639 = vector.broadcast %add3A_638 : f32 to vector<16xf32>
          %add3A_640 = arith.addf %add3A_639, %mul3A_637 : vector<16xf32>
          %mul3A_641 = arith.constant 2.000000e+00 : f32
          %mul3A_642 = vector.broadcast %mul3A_641 : f32 to vector<16xf32>
          %mul3A_643 = arith.mulf %mul3A_642, %div3A_625 : vector<16xf32>
          %mul3A_644 = arith.mulf %mul3A_643, %add3A_640 : vector<16xf32>
          %mul3A_645 = arith.mulf %exp3A_615, %div3A_621 : vector<16xf32>
          %add3A_646 = arith.addf %abs3A_611, %mul3A_644 : vector<16xf32>
          %mul3A_647 = arith.mulf %div3A_621, %div3A_621 : vector<16xf32>
          %mul3A_648 = arith.mulf %mul3A_647, %add3A_646 : vector<16xf32>
          %mul3A_649 = arith.mulf %mul3A_645, %mul3A_645 : vector<16xf32>
          %mul3A_650 = arith.mulf %mul3A_649, %mul3A_644 : vector<16xf32>
          %gt3A_651 = arith.constant 0.000000e+00 : f32
          %gt3A_652 = vector.broadcast %gt3A_651 : f32 to vector<16xf32>
          %gt3A_653 = arith.cmpf ogt, %get3A_610, %gt3A_652 : vector<16xf32>
          %ge3A_654 = arith.constant 0.000000e+00 : f32
          %ge3A_655 = vector.broadcast %ge3A_654 : f32 to vector<16xf32>
          %ge3A_656 = arith.cmpf oge, %get3A_602, %ge3A_655 : vector<16xf32>
          %ne3A_657 = arith.xori %ge3A_656, %gt3A_653 : vector<16xi1>
          %select_n3A_658 = arith.select %ne3A_657, %mul3A_648, %mul3A_650 : vector<16xi1>, vector<16xf32>
          %jit3A_659 = arith.constant 2.500000e-01 : f32
          %jit3A_660 = arith.constant 7.500000e-01 : f32
          %broadcast_in_dim3A_661 = vector.broadcast %jit3A_659 : f32 to vector<16xf32>
          %broadcast_in_dim3A_662 = vector.broadcast %jit3A_660 : f32 to vector<16xf32>
          %select_n3A_663 = arith.select %gt3A_653, %broadcast_in_dim3A_661, %broadcast_in_dim3A_662 : vector<16xi1>, vector<16xf32>
          %mul3A_664 = arith.mulf %select_n3A_663, %select_n3A_658 : vector<16xf32>
          %add3A_665 = arith.addf %add3A_593, %mul3A_664 : vector<16xf32>
          %max3A_666 = arith.maximumf %max3A_594, %get3A_610 : vector<16xf32>
          scf.yield %add3A_665, %max3A_666 : vector<16xf32>, vector<16xf32>
        }
        %scan3A_95 = arith.constant 10 : i32
        %add3A_96 = arith.addf %scan3A_85, %scan3A_94#1 : vector<16xf32>
        scf.yield %scan3A_94#0, %add3A_96 : vector<16xf32>, vector<16xf32>
      }
      %scan3A_82 = arith.constant 8 : i32
      scf.yield %scan3A_81#0, %scan3A_81#1 : vector<16xf32>, vector<16xf32>
    }
    %while3A_16 = arith.constant 1 : i32
    %while3A_17:2 = scf.for %while3A_42 = %while3A_13 to %while3A_9 step %while3A_16 iter_args(%while3A_43 = %while3A_15#0, %while3A_44 = %while3A_15#1) -> (vector<16xf32>, vector<16xf32>)  : i32 {
      %add3A_45 = arith.constant 840 : i32
      %add3A_46 = arith.addi %add3A_45, %add3A_4 : i32
      %add3A_47 = arith.addi %add3A_46, %while3A_42 : i32
      %dma_start3A = arith.constant 0 : i32
      %dma_start3A_48 = arith.constant 0 : i32
      %dma_start3A_49 = arith.constant 0 : i32
      %dma_start3A_50 = tpu.memref_slice %arg2[%dma_start3A, %add3A_47, %dma_start3A_48, %dma_start3A_49] : memref<10x1050x8x128xf32, #tpu.memory_space<hbm>> -> memref<10x1x8x128xf32, #tpu.memory_space<hbm>>
      %dma_start3A_51 = arith.constant 0 : i32
      %dma_start3A_52 = arith.constant 0 : i32
      %dma_start3A_53 = arith.constant 0 : i32
      %dma_start3A_54 = tpu.memref_slice %arg2[%dma_start3A_51, %add3A_47, %dma_start3A_52, %dma_start3A_53] : memref<10x1050x8x128xf32, #tpu.memory_space<hbm>> -> memref<10x1x8x128xf32, #tpu.memory_space<hbm>>
      tpu.enqueue_dma source(%dma_start3A_54 : memref<10x1x8x128xf32, #tpu.memory_space<hbm>>) target(%arg6 : memref<10x1x8x128xf32, #tpu.memory_space<vmem>>) target_semaphore(%arg8 : memref<!tpu.dma_semaphore, #tpu.memory_space<semaphore_mem>>)
      %dma_start3A_55 = arith.constant 0 : i32
      %dma_start3A_56 = arith.constant 0 : i32
      %dma_start3A_57 = arith.constant 0 : i32
      %dma_start3A_58 = tpu.memref_slice %arg3[%dma_start3A_55, %add3A_47, %dma_start3A_56, %dma_start3A_57] : memref<10x1050x8x128xf32, #tpu.memory_space<hbm>> -> memref<10x1x8x128xf32, #tpu.memory_space<hbm>>
      %dma_start3A_59 = arith.constant 0 : i32
      %dma_start3A_60 = arith.constant 0 : i32
      %dma_start3A_61 = arith.constant 0 : i32
      %dma_start3A_62 = tpu.memref_slice %arg3[%dma_start3A_59, %add3A_47, %dma_start3A_60, %dma_start3A_61] : memref<10x1050x8x128xf32, #tpu.memory_space<hbm>> -> memref<10x1x8x128xf32, #tpu.memory_space<hbm>>
      tpu.enqueue_dma source(%dma_start3A_62 : memref<10x1x8x128xf32, #tpu.memory_space<hbm>>) target(%arg7 : memref<10x1x8x128xf32, #tpu.memory_space<vmem>>) target_semaphore(%arg8 : memref<!tpu.dma_semaphore, #tpu.memory_space<semaphore_mem>>)
      %dma_wait3A = arith.constant 0 : i32
      %dma_wait3A_63 = arith.constant 0 : i32
      %dma_wait3A_64 = arith.constant 0 : i32
      %dma_wait3A_65 = tpu.memref_slice %arg2[%dma_wait3A, %add3A_47, %dma_wait3A_63, %dma_wait3A_64] : memref<10x1050x8x128xf32, #tpu.memory_space<hbm>> -> memref<10x1x8x128xf32, #tpu.memory_space<hbm>>
      %dma_wait3A_66 = arith.constant 0 : i32
      %dma_wait3A_67 = arith.constant 0 : i32
      %dma_wait3A_68 = arith.constant 0 : i32
      %dma_wait3A_69 = tpu.memref_slice %arg2[%dma_wait3A_66, %add3A_47, %dma_wait3A_67, %dma_wait3A_68] : memref<10x1050x8x128xf32, #tpu.memory_space<hbm>> -> memref<10x1x8x128xf32, #tpu.memory_space<hbm>>
      tpu.wait_dma2 semaphore(%arg8 : memref<!tpu.dma_semaphore, #tpu.memory_space<semaphore_mem>>) src(%dma_wait3A_69 : memref<10x1x8x128xf32, #tpu.memory_space<hbm>>) dst(%arg6 : memref<10x1x8x128xf32, #tpu.memory_space<vmem>>)
      %dma_wait3A_70 = arith.constant 0 : i32
      %dma_wait3A_71 = arith.constant 0 : i32
      %dma_wait3A_72 = arith.constant 0 : i32
      %dma_wait3A_73 = tpu.memref_slice %arg3[%dma_wait3A_70, %add3A_47, %dma_wait3A_71, %dma_wait3A_72] : memref<10x1050x8x128xf32, #tpu.memory_space<hbm>> -> memref<10x1x8x128xf32, #tpu.memory_space<hbm>>
      %dma_wait3A_74 = arith.constant 0 : i32
      %dma_wait3A_75 = arith.constant 0 : i32
      %dma_wait3A_76 = arith.constant 0 : i32
      %dma_wait3A_77 = tpu.memref_slice %arg3[%dma_wait3A_74, %add3A_47, %dma_wait3A_75, %dma_wait3A_76] : memref<10x1050x8x128xf32, #tpu.memory_space<hbm>> -> memref<10x1x8x128xf32, #tpu.memory_space<hbm>>
      tpu.wait_dma2 semaphore(%arg8 : memref<!tpu.dma_semaphore, #tpu.memory_space<semaphore_mem>>) src(%dma_wait3A_77 : memref<10x1x8x128xf32, #tpu.memory_space<hbm>>) dst(%arg7 : memref<10x1x8x128xf32, #tpu.memory_space<vmem>>)
      %scan3A = arith.constant 0 : i32
      %scan3A_78 = arith.constant 8 : i32
      %scan3A_79 = arith.addi %scan3A, %scan3A_78 : i32
      %scan3A_80 = arith.constant 1 : i32
      %scan3A_81:2 = scf.for %scan3A_83 = %scan3A to %scan3A_79 step %scan3A_80 iter_args(%scan3A_84 = %while3A_43, %scan3A_85 = %while3A_44) -> (vector<16xf32>, vector<16xf32>)  : i32 {
        %mul3A_86 = arith.constant 16 : i32
        %mul3A_87 = arith.muli %scan3A_83, %mul3A_86 : i32
        %broadcast_in_dim3A_88 = arith.constant 0.000000e+00 : f32
        %broadcast_in_dim3A_89 = vector.broadcast %broadcast_in_dim3A_88 : f32 to vector<16xf32>
        %scan3A_90 = arith.constant 0 : i32
        %scan3A_91 = arith.constant 10 : i32
        %scan3A_92 = arith.addi %scan3A_90, %scan3A_91 : i32
        %scan3A_93 = arith.constant 1 : i32
        %scan3A_94:2 = scf.for %scan3A_97 = %scan3A_90 to %scan3A_92 step %scan3A_93 iter_args(%scan3A_98 = %scan3A_84, %scan3A_99 = %broadcast_in_dim3A_89) -> (vector<16xf32>, vector<16xf32>)  : i32 {
          %get3A = arith.constant 0 : i32
          %get3A_100 = arith.constant 0 : i32
          %get3A_101 = arith.index_cast %scan3A_97 : i32 to index
          %get3A_102 = arith.index_cast %get3A : i32 to index
          %get3A_103 = arith.index_cast %get3A_100 : i32 to index
          %get3A_104 = arith.index_cast %mul3A_87 : i32 to index
          %get3A_105 = tpu.vector_load %arg6[%get3A_101, %get3A_102, %get3A_103, %get3A_104] {strides = array<i32>} : memref<10x1x8x128xf32, #tpu.memory_space<vmem>>, vector<1x1x1x16xf32>,
          %get3A_106 = vector.shape_cast %get3A_105 : vector<1x1x1x16xf32> to vector<16xf32>
          %get3A_107 = arith.constant 0 : i32
          %get3A_108 = arith.constant 0 : i32
          %get3A_109 = arith.index_cast %scan3A_97 : i32 to index
          %get3A_110 = arith.index_cast %get3A_107 : i32 to index
          %get3A_111 = arith.index_cast %get3A_108 : i32 to index
          %get3A_112 = arith.index_cast %mul3A_87 : i32 to index
          %get3A_113 = tpu.vector_load %arg7[%get3A_109, %get3A_110, %get3A_111, %get3A_112] {strides = array<i32>} : memref<10x1x8x128xf32, #tpu.memory_space<vmem>>, vector<1x1x1x16xf32>,
          %get3A_114 = vector.shape_cast %get3A_113 : vector<1x1x1x16xf32> to vector<16xf32>
          %abs3A = math.absf %get3A_106 : vector<16xf32>
          %neg3A = arith.constant 0.000000e+00 : f32
          %neg3A_115 = vector.broadcast %neg3A : f32 to vector<16xf32>
          %neg3A_116 = arith.subf %neg3A_115, %abs3A : vector<16xf32>
          %exp3A = math.exp %neg3A_116 : vector<16xf32>
          %add3A_117 = arith.constant 1.000000e+00 : f32
          %add3A_118 = vector.broadcast %add3A_117 : f32 to vector<16xf32>
          %add3A_119 = arith.addf %add3A_118, %exp3A : vector<16xf32>
          %div3A = arith.constant 1.000000e+00 : f32
          %div3A_120 = vector.broadcast %div3A : f32 to vector<16xf32>
          %div3A_121 = arith.divf %div3A_120, %add3A_119 : vector<16xf32>
          %add3A_122 = arith.constant 2.000000e+00 : f32
          %add3A_123 = vector.broadcast %add3A_122 : f32 to vector<16xf32>
          %add3A_124 = arith.addf %add3A_123, %exp3A : vector<16xf32>
          %div3A_125 = arith.divf %exp3A, %add3A_124 : vector<16xf32>
          %mul3A_126 = arith.mulf %div3A_125, %div3A_125 : vector<16xf32>
          %mul3A_127 = arith.constant 0.142857149 : f32
          %mul3A_128 = vector.broadcast %mul3A_127 : f32 to vector<16xf32>
          %mul3A_129 = arith.mulf %mul3A_126, %mul3A_128 : vector<16xf32>
          %add3A_130 = arith.constant 2.000000e-01 : f32
          %add3A_131 = vector.broadcast %add3A_130 : f32 to vector<16xf32>
          %add3A_132 = arith.addf %add3A_131, %mul3A_129 : vector<16xf32>
          %mul3A_133 = arith.mulf %mul3A_126, %add3A_132 : vector<16xf32>
          %add3A_134 = arith.constant 0.333333343 : f32
          %add3A_135 = vector.broadcast %add3A_134 : f32 to vector<16xf32>
          %add3A_136 = arith.addf %add3A_135, %mul3A_133 : vector<16xf32>
          %mul3A_137 = arith.mulf %mul3A_126, %add3A_136 : vector<16xf32>
          %add3A_138 = arith.constant 1.000000e+00 : f32
          %add3A_139 = vector.broadcast %add3A_138 : f32 to vector<16xf32>
          %add3A_140 = arith.addf %add3A_139, %mul3A_137 : vector<16xf32>
          %mul3A_141 = arith.constant 2.000000e+00 : f32
          %mul3A_142 = vector.broadcast %mul3A_141 : f32 to vector<16xf32>
          %mul3A_143 = arith.mulf %mul3A_142, %div3A_125 : vector<16xf32>
          %mul3A_144 = arith.mulf %mul3A_143, %add3A_140 : vector<16xf32>
          %mul3A_145 = arith.mulf %exp3A, %div3A_121 : vector<16xf32>
          %add3A_146 = arith.addf %abs3A, %mul3A_144 : vector<16xf32>
          %mul3A_147 = arith.mulf %div3A_121, %div3A_121 : vector<16xf32>
          %mul3A_148 = arith.mulf %mul3A_147, %add3A_146 : vector<16xf32>
          %mul3A_149 = arith.mulf %mul3A_145, %mul3A_145 : vector<16xf32>
          %mul3A_150 = arith.mulf %mul3A_149, %mul3A_144 : vector<16xf32>
          %gt3A = arith.constant 0.000000e+00 : f32
          %gt3A_151 = vector.broadcast %gt3A : f32 to vector<16xf32>
          %gt3A_152 = arith.cmpf ogt, %get3A_114, %gt3A_151 : vector<16xf32>
          %ge3A = arith.constant 0.000000e+00 : f32
          %ge3A_153 = vector.broadcast %ge3A : f32 to vector<16xf32>
          %ge3A_154 = arith.cmpf oge, %get3A_106, %ge3A_153 : vector<16xf32>
          %ne3A = arith.xori %ge3A_154, %gt3A_152 : vector<16xi1>
          %select_n3A_155 = arith.select %ne3A, %mul3A_148, %mul3A_150 : vector<16xi1>, vector<16xf32>
          %jit3A_156 = arith.constant 2.500000e-01 : f32
          %jit3A_157 = arith.constant 7.500000e-01 : f32
          %broadcast_in_dim3A_158 = vector.broadcast %jit3A_156 : f32 to vector<16xf32>
          %broadcast_in_dim3A_159 = vector.broadcast %jit3A_157 : f32 to vector<16xf32>
          %select_n3A_160 = arith.select %gt3A_152, %broadcast_in_dim3A_158, %broadcast_in_dim3A_159 : vector<16xi1>, vector<16xf32>
          %mul3A_161 = arith.mulf %select_n3A_160, %select_n3A_155 : vector<16xf32>
          %add3A_162 = arith.addf %scan3A_98, %mul3A_161 : vector<16xf32>
          %max3A = arith.maximumf %scan3A_99, %get3A_114 : vector<16xf32>
          %get3A_163 = arith.constant 0 : i32
          %get3A_164 = arith.constant 1 : i32
          %get3A_165 = arith.index_cast %scan3A_97 : i32 to index
          %get3A_166 = arith.index_cast %get3A_163 : i32 to index
          %get3A_167 = arith.index_cast %get3A_164 : i32 to index
          %get3A_168 = arith.index_cast %mul3A_87 : i32 to index
          %get3A_169 = tpu.vector_load %arg6[%get3A_165, %get3A_166, %get3A_167, %get3A_168] {strides = array<i32>} : memref<10x1x8x128xf32, #tpu.memory_space<vmem>>, vector<1x1x1x16xf32>,
          %get3A_170 = vector.shape_cast %get3A_169 : vector<1x1x1x16xf32> to vector<16xf32>
          %get3A_171 = arith.constant 0 : i32
          %get3A_172 = arith.constant 1 : i32
          %get3A_173 = arith.index_cast %scan3A_97 : i32 to index
          %get3A_174 = arith.index_cast %get3A_171 : i32 to index
          %get3A_175 = arith.index_cast %get3A_172 : i32 to index
          %get3A_176 = arith.index_cast %mul3A_87 : i32 to index
          %get3A_177 = tpu.vector_load %arg7[%get3A_173, %get3A_174, %get3A_175, %get3A_176] {strides = array<i32>} : memref<10x1x8x128xf32, #tpu.memory_space<vmem>>, vector<1x1x1x16xf32>,
          %get3A_178 = vector.shape_cast %get3A_177 : vector<1x1x1x16xf32> to vector<16xf32>
          %abs3A_179 = math.absf %get3A_170 : vector<16xf32>
          %neg3A_180 = arith.constant 0.000000e+00 : f32
          %neg3A_181 = vector.broadcast %neg3A_180 : f32 to vector<16xf32>
          %neg3A_182 = arith.subf %neg3A_181, %abs3A_179 : vector<16xf32>
          %exp3A_183 = math.exp %neg3A_182 : vector<16xf32>
          %add3A_184 = arith.constant 1.000000e+00 : f32
          %add3A_185 = vector.broadcast %add3A_184 : f32 to vector<16xf32>
          %add3A_186 = arith.addf %add3A_185, %exp3A_183 : vector<16xf32>
          %div3A_187 = arith.constant 1.000000e+00 : f32
          %div3A_188 = vector.broadcast %div3A_187 : f32 to vector<16xf32>
          %div3A_189 = arith.divf %div3A_188, %add3A_186 : vector<16xf32>
          %add3A_190 = arith.constant 2.000000e+00 : f32
          %add3A_191 = vector.broadcast %add3A_190 : f32 to vector<16xf32>
          %add3A_192 = arith.addf %add3A_191, %exp3A_183 : vector<16xf32>
          %div3A_193 = arith.divf %exp3A_183, %add3A_192 : vector<16xf32>
          %mul3A_194 = arith.mulf %div3A_193, %div3A_193 : vector<16xf32>
          %mul3A_195 = arith.constant 0.142857149 : f32
          %mul3A_196 = vector.broadcast %mul3A_195 : f32 to vector<16xf32>
          %mul3A_197 = arith.mulf %mul3A_194, %mul3A_196 : vector<16xf32>
          %add3A_198 = arith.constant 2.000000e-01 : f32
          %add3A_199 = vector.broadcast %add3A_198 : f32 to vector<16xf32>
          %add3A_200 = arith.addf %add3A_199, %mul3A_197 : vector<16xf32>
          %mul3A_201 = arith.mulf %mul3A_194, %add3A_200 : vector<16xf32>
          %add3A_202 = arith.constant 0.333333343 : f32
          %add3A_203 = vector.broadcast %add3A_202 : f32 to vector<16xf32>
          %add3A_204 = arith.addf %add3A_203, %mul3A_201 : vector<16xf32>
          %mul3A_205 = arith.mulf %mul3A_194, %add3A_204 : vector<16xf32>
          %add3A_206 = arith.constant 1.000000e+00 : f32
          %add3A_207 = vector.broadcast %add3A_206 : f32 to vector<16xf32>
          %add3A_208 = arith.addf %add3A_207, %mul3A_205 : vector<16xf32>
          %mul3A_209 = arith.constant 2.000000e+00 : f32
          %mul3A_210 = vector.broadcast %mul3A_209 : f32 to vector<16xf32>
          %mul3A_211 = arith.mulf %mul3A_210, %div3A_193 : vector<16xf32>
          %mul3A_212 = arith.mulf %mul3A_211, %add3A_208 : vector<16xf32>
          %mul3A_213 = arith.mulf %exp3A_183, %div3A_189 : vector<16xf32>
          %add3A_214 = arith.addf %abs3A_179, %mul3A_212 : vector<16xf32>
          %mul3A_215 = arith.mulf %div3A_189, %div3A_189 : vector<16xf32>
          %mul3A_216 = arith.mulf %mul3A_215, %add3A_214 : vector<16xf32>
          %mul3A_217 = arith.mulf %mul3A_213, %mul3A_213 : vector<16xf32>
          %mul3A_218 = arith.mulf %mul3A_217, %mul3A_212 : vector<16xf32>
          %gt3A_219 = arith.constant 0.000000e+00 : f32
          %gt3A_220 = vector.broadcast %gt3A_219 : f32 to vector<16xf32>
          %gt3A_221 = arith.cmpf ogt, %get3A_178, %gt3A_220 : vector<16xf32>
          %ge3A_222 = arith.constant 0.000000e+00 : f32
          %ge3A_223 = vector.broadcast %ge3A_222 : f32 to vector<16xf32>
          %ge3A_224 = arith.cmpf oge, %get3A_170, %ge3A_223 : vector<16xf32>
          %ne3A_225 = arith.xori %ge3A_224, %gt3A_221 : vector<16xi1>
          %select_n3A_226 = arith.select %ne3A_225, %mul3A_216, %mul3A_218 : vector<16xi1>, vector<16xf32>
          %jit3A_227 = arith.constant 2.500000e-01 : f32
          %jit3A_228 = arith.constant 7.500000e-01 : f32
          %broadcast_in_dim3A_229 = vector.broadcast %jit3A_227 : f32 to vector<16xf32>
          %broadcast_in_dim3A_230 = vector.broadcast %jit3A_228 : f32 to vector<16xf32>
          %select_n3A_231 = arith.select %gt3A_221, %broadcast_in_dim3A_229, %broadcast_in_dim3A_230 : vector<16xi1>, vector<16xf32>
          %mul3A_232 = arith.mulf %select_n3A_231, %select_n3A_226 : vector<16xf32>
          %add3A_233 = arith.addf %add3A_162, %mul3A_232 : vector<16xf32>
          %max3A_234 = arith.maximumf %max3A, %get3A_178 : vector<16xf32>
          %get3A_235 = arith.constant 0 : i32
          %get3A_236 = arith.constant 2 : i32
          %get3A_237 = arith.index_cast %scan3A_97 : i32 to index
          %get3A_238 = arith.index_cast %get3A_235 : i32 to index
          %get3A_239 = arith.index_cast %get3A_236 : i32 to index
          %get3A_240 = arith.index_cast %mul3A_87 : i32 to index
          %get3A_241 = tpu.vector_load %arg6[%get3A_237, %get3A_238, %get3A_239, %get3A_240] {strides = array<i32>} : memref<10x1x8x128xf32, #tpu.memory_space<vmem>>, vector<1x1x1x16xf32>,
          %get3A_242 = vector.shape_cast %get3A_241 : vector<1x1x1x16xf32> to vector<16xf32>
          %get3A_243 = arith.constant 0 : i32
          %get3A_244 = arith.constant 2 : i32
          %get3A_245 = arith.index_cast %scan3A_97 : i32 to index
          %get3A_246 = arith.index_cast %get3A_243 : i32 to index
          %get3A_247 = arith.index_cast %get3A_244 : i32 to index
          %get3A_248 = arith.index_cast %mul3A_87 : i32 to index
          %get3A_249 = tpu.vector_load %arg7[%get3A_245, %get3A_246, %get3A_247, %get3A_248] {strides = array<i32>} : memref<10x1x8x128xf32, #tpu.memory_space<vmem>>, vector<1x1x1x16xf32>,
          %get3A_250 = vector.shape_cast %get3A_249 : vector<1x1x1x16xf32> to vector<16xf32>
          %abs3A_251 = math.absf %get3A_242 : vector<16xf32>
          %neg3A_252 = arith.constant 0.000000e+00 : f32
          %neg3A_253 = vector.broadcast %neg3A_252 : f32 to vector<16xf32>
          %neg3A_254 = arith.subf %neg3A_253, %abs3A_251 : vector<16xf32>
          %exp3A_255 = math.exp %neg3A_254 : vector<16xf32>
          %add3A_256 = arith.constant 1.000000e+00 : f32
          %add3A_257 = vector.broadcast %add3A_256 : f32 to vector<16xf32>
          %add3A_258 = arith.addf %add3A_257, %exp3A_255 : vector<16xf32>
          %div3A_259 = arith.constant 1.000000e+00 : f32
          %div3A_260 = vector.broadcast %div3A_259 : f32 to vector<16xf32>
          %div3A_261 = arith.divf %div3A_260, %add3A_258 : vector<16xf32>
          %add3A_262 = arith.constant 2.000000e+00 : f32
          %add3A_263 = vector.broadcast %add3A_262 : f32 to vector<16xf32>
          %add3A_264 = arith.addf %add3A_263, %exp3A_255 : vector<16xf32>
          %div3A_265 = arith.divf %exp3A_255, %add3A_264 : vector<16xf32>
          %mul3A_266 = arith.mulf %div3A_265, %div3A_265 : vector<16xf32>
          %mul3A_267 = arith.constant 0.142857149 : f32
          %mul3A_268 = vector.broadcast %mul3A_267 : f32 to vector<16xf32>
          %mul3A_269 = arith.mulf %mul3A_266, %mul3A_268 : vector<16xf32>
          %add3A_270 = arith.constant 2.000000e-01 : f32
          %add3A_271 = vector.broadcast %add3A_270 : f32 to vector<16xf32>
          %add3A_272 = arith.addf %add3A_271, %mul3A_269 : vector<16xf32>
          %mul3A_273 = arith.mulf %mul3A_266, %add3A_272 : vector<16xf32>
          %add3A_274 = arith.constant 0.333333343 : f32
          %add3A_275 = vector.broadcast %add3A_274 : f32 to vector<16xf32>
          %add3A_276 = arith.addf %add3A_275, %mul3A_273 : vector<16xf32>
          %mul3A_277 = arith.mulf %mul3A_266, %add3A_276 : vector<16xf32>
          %add3A_278 = arith.constant 1.000000e+00 : f32
          %add3A_279 = vector.broadcast %add3A_278 : f32 to vector<16xf32>
          %add3A_280 = arith.addf %add3A_279, %mul3A_277 : vector<16xf32>
          %mul3A_281 = arith.constant 2.000000e+00 : f32
          %mul3A_282 = vector.broadcast %mul3A_281 : f32 to vector<16xf32>
          %mul3A_283 = arith.mulf %mul3A_282, %div3A_265 : vector<16xf32>
          %mul3A_284 = arith.mulf %mul3A_283, %add3A_280 : vector<16xf32>
          %mul3A_285 = arith.mulf %exp3A_255, %div3A_261 : vector<16xf32>
          %add3A_286 = arith.addf %abs3A_251, %mul3A_284 : vector<16xf32>
          %mul3A_287 = arith.mulf %div3A_261, %div3A_261 : vector<16xf32>
          %mul3A_288 = arith.mulf %mul3A_287, %add3A_286 : vector<16xf32>
          %mul3A_289 = arith.mulf %mul3A_285, %mul3A_285 : vector<16xf32>
          %mul3A_290 = arith.mulf %mul3A_289, %mul3A_284 : vector<16xf32>
          %gt3A_291 = arith.constant 0.000000e+00 : f32
          %gt3A_292 = vector.broadcast %gt3A_291 : f32 to vector<16xf32>
          %gt3A_293 = arith.cmpf ogt, %get3A_250, %gt3A_292 : vector<16xf32>
          %ge3A_294 = arith.constant 0.000000e+00 : f32
          %ge3A_295 = vector.broadcast %ge3A_294 : f32 to vector<16xf32>
          %ge3A_296 = arith.cmpf oge, %get3A_242, %ge3A_295 : vector<16xf32>
          %ne3A_297 = arith.xori %ge3A_296, %gt3A_293 : vector<16xi1>
          %select_n3A_298 = arith.select %ne3A_297, %mul3A_288, %mul3A_290 : vector<16xi1>, vector<16xf32>
          %jit3A_299 = arith.constant 2.500000e-01 : f32
          %jit3A_300 = arith.constant 7.500000e-01 : f32
          %broadcast_in_dim3A_301 = vector.broadcast %jit3A_299 : f32 to vector<16xf32>
          %broadcast_in_dim3A_302 = vector.broadcast %jit3A_300 : f32 to vector<16xf32>
          %select_n3A_303 = arith.select %gt3A_293, %broadcast_in_dim3A_301, %broadcast_in_dim3A_302 : vector<16xi1>, vector<16xf32>
          %mul3A_304 = arith.mulf %select_n3A_303, %select_n3A_298 : vector<16xf32>
          %add3A_305 = arith.addf %add3A_233, %mul3A_304 : vector<16xf32>
          %max3A_306 = arith.maximumf %max3A_234, %get3A_250 : vector<16xf32>
          %get3A_307 = arith.constant 0 : i32
          %get3A_308 = arith.constant 3 : i32
          %get3A_309 = arith.index_cast %scan3A_97 : i32 to index
          %get3A_310 = arith.index_cast %get3A_307 : i32 to index
          %get3A_311 = arith.index_cast %get3A_308 : i32 to index
          %get3A_312 = arith.index_cast %mul3A_87 : i32 to index
          %get3A_313 = tpu.vector_load %arg6[%get3A_309, %get3A_310, %get3A_311, %get3A_312] {strides = array<i32>} : memref<10x1x8x128xf32, #tpu.memory_space<vmem>>, vector<1x1x1x16xf32>,
          %get3A_314 = vector.shape_cast %get3A_313 : vector<1x1x1x16xf32> to vector<16xf32>
          %get3A_315 = arith.constant 0 : i32
          %get3A_316 = arith.constant 3 : i32
          %get3A_317 = arith.index_cast %scan3A_97 : i32 to index
          %get3A_318 = arith.index_cast %get3A_315 : i32 to index
          %get3A_319 = arith.index_cast %get3A_316 : i32 to index
          %get3A_320 = arith.index_cast %mul3A_87 : i32 to index
          %get3A_321 = tpu.vector_load %arg7[%get3A_317, %get3A_318, %get3A_319, %get3A_320] {strides = array<i32>} : memref<10x1x8x128xf32, #tpu.memory_space<vmem>>, vector<1x1x1x16xf32>,
          %get3A_322 = vector.shape_cast %get3A_321 : vector<1x1x1x16xf32> to vector<16xf32>
          %abs3A_323 = math.absf %get3A_314 : vector<16xf32>
          %neg3A_324 = arith.constant 0.000000e+00 : f32
          %neg3A_325 = vector.broadcast %neg3A_324 : f32 to vector<16xf32>
          %neg3A_326 = arith.subf %neg3A_325, %abs3A_323 : vector<16xf32>
          %exp3A_327 = math.exp %neg3A_326 : vector<16xf32>
          %add3A_328 = arith.constant 1.000000e+00 : f32
          %add3A_329 = vector.broadcast %add3A_328 : f32 to vector<16xf32>
          %add3A_330 = arith.addf %add3A_329, %exp3A_327 : vector<16xf32>
          %div3A_331 = arith.constant 1.000000e+00 : f32
          %div3A_332 = vector.broadcast %div3A_331 : f32 to vector<16xf32>
          %div3A_333 = arith.divf %div3A_332, %add3A_330 : vector<16xf32>
          %add3A_334 = arith.constant 2.000000e+00 : f32
          %add3A_335 = vector.broadcast %add3A_334 : f32 to vector<16xf32>
          %add3A_336 = arith.addf %add3A_335, %exp3A_327 : vector<16xf32>
          %div3A_337 = arith.divf %exp3A_327, %add3A_336 : vector<16xf32>
          %mul3A_338 = arith.mulf %div3A_337, %div3A_337 : vector<16xf32>
          %mul3A_339 = arith.constant 0.142857149 : f32
          %mul3A_340 = vector.broadcast %mul3A_339 : f32 to vector<16xf32>
          %mul3A_341 = arith.mulf %mul3A_338, %mul3A_340 : vector<16xf32>
          %add3A_342 = arith.constant 2.000000e-01 : f32
          %add3A_343 = vector.broadcast %add3A_342 : f32 to vector<16xf32>
          %add3A_344 = arith.addf %add3A_343, %mul3A_341 : vector<16xf32>
          %mul3A_345 = arith.mulf %mul3A_338, %add3A_344 : vector<16xf32>
          %add3A_346 = arith.constant 0.333333343 : f32
          %add3A_347 = vector.broadcast %add3A_346 : f32 to vector<16xf32>
          %add3A_348 = arith.addf %add3A_347, %mul3A_345 : vector<16xf32>
          %mul3A_349 = arith.mulf %mul3A_338, %add3A_348 : vector<16xf32>
          %add3A_350 = arith.constant 1.000000e+00 : f32
          %add3A_351 = vector.broadcast %add3A_350 : f32 to vector<16xf32>
          %add3A_352 = arith.addf %add3A_351, %mul3A_349 : vector<16xf32>
          %mul3A_353 = arith.constant 2.000000e+00 : f32
          %mul3A_354 = vector.broadcast %mul3A_353 : f32 to vector<16xf32>
          %mul3A_355 = arith.mulf %mul3A_354, %div3A_337 : vector<16xf32>
          %mul3A_356 = arith.mulf %mul3A_355, %add3A_352 : vector<16xf32>
          %mul3A_357 = arith.mulf %exp3A_327, %div3A_333 : vector<16xf32>
          %add3A_358 = arith.addf %abs3A_323, %mul3A_356 : vector<16xf32>
          %mul3A_359 = arith.mulf %div3A_333, %div3A_333 : vector<16xf32>
          %mul3A_360 = arith.mulf %mul3A_359, %add3A_358 : vector<16xf32>
          %mul3A_361 = arith.mulf %mul3A_357, %mul3A_357 : vector<16xf32>
          %mul3A_362 = arith.mulf %mul3A_361, %mul3A_356 : vector<16xf32>
          %gt3A_363 = arith.constant 0.000000e+00 : f32
          %gt3A_364 = vector.broadcast %gt3A_363 : f32 to vector<16xf32>
          %gt3A_365 = arith.cmpf ogt, %get3A_322, %gt3A_364 : vector<16xf32>
          %ge3A_366 = arith.constant 0.000000e+00 : f32
          %ge3A_367 = vector.broadcast %ge3A_366 : f32 to vector<16xf32>
          %ge3A_368 = arith.cmpf oge, %get3A_314, %ge3A_367 : vector<16xf32>
          %ne3A_369 = arith.xori %ge3A_368, %gt3A_365 : vector<16xi1>
          %select_n3A_370 = arith.select %ne3A_369, %mul3A_360, %mul3A_362 : vector<16xi1>, vector<16xf32>
          %jit3A_371 = arith.constant 2.500000e-01 : f32
          %jit3A_372 = arith.constant 7.500000e-01 : f32
          %broadcast_in_dim3A_373 = vector.broadcast %jit3A_371 : f32 to vector<16xf32>
          %broadcast_in_dim3A_374 = vector.broadcast %jit3A_372 : f32 to vector<16xf32>
          %select_n3A_375 = arith.select %gt3A_365, %broadcast_in_dim3A_373, %broadcast_in_dim3A_374 : vector<16xi1>, vector<16xf32>
          %mul3A_376 = arith.mulf %select_n3A_375, %select_n3A_370 : vector<16xf32>
          %add3A_377 = arith.addf %add3A_305, %mul3A_376 : vector<16xf32>
          %max3A_378 = arith.maximumf %max3A_306, %get3A_322 : vector<16xf32>
          %get3A_379 = arith.constant 0 : i32
          %get3A_380 = arith.constant 4 : i32
          %get3A_381 = arith.index_cast %scan3A_97 : i32 to index
          %get3A_382 = arith.index_cast %get3A_379 : i32 to index
          %get3A_383 = arith.index_cast %get3A_380 : i32 to index
          %get3A_384 = arith.index_cast %mul3A_87 : i32 to index
          %get3A_385 = tpu.vector_load %arg6[%get3A_381, %get3A_382, %get3A_383, %get3A_384] {strides = array<i32>} : memref<10x1x8x128xf32, #tpu.memory_space<vmem>>, vector<1x1x1x16xf32>,
          %get3A_386 = vector.shape_cast %get3A_385 : vector<1x1x1x16xf32> to vector<16xf32>
          %get3A_387 = arith.constant 0 : i32
          %get3A_388 = arith.constant 4 : i32
          %get3A_389 = arith.index_cast %scan3A_97 : i32 to index
          %get3A_390 = arith.index_cast %get3A_387 : i32 to index
          %get3A_391 = arith.index_cast %get3A_388 : i32 to index
          %get3A_392 = arith.index_cast %mul3A_87 : i32 to index
          %get3A_393 = tpu.vector_load %arg7[%get3A_389, %get3A_390, %get3A_391, %get3A_392] {strides = array<i32>} : memref<10x1x8x128xf32, #tpu.memory_space<vmem>>, vector<1x1x1x16xf32>,
          %get3A_394 = vector.shape_cast %get3A_393 : vector<1x1x1x16xf32> to vector<16xf32>
          %abs3A_395 = math.absf %get3A_386 : vector<16xf32>
          %neg3A_396 = arith.constant 0.000000e+00 : f32
          %neg3A_397 = vector.broadcast %neg3A_396 : f32 to vector<16xf32>
          %neg3A_398 = arith.subf %neg3A_397, %abs3A_395 : vector<16xf32>
          %exp3A_399 = math.exp %neg3A_398 : vector<16xf32>
          %add3A_400 = arith.constant 1.000000e+00 : f32
          %add3A_401 = vector.broadcast %add3A_400 : f32 to vector<16xf32>
          %add3A_402 = arith.addf %add3A_401, %exp3A_399 : vector<16xf32>
          %div3A_403 = arith.constant 1.000000e+00 : f32
          %div3A_404 = vector.broadcast %div3A_403 : f32 to vector<16xf32>
          %div3A_405 = arith.divf %div3A_404, %add3A_402 : vector<16xf32>
          %add3A_406 = arith.constant 2.000000e+00 : f32
          %add3A_407 = vector.broadcast %add3A_406 : f32 to vector<16xf32>
          %add3A_408 = arith.addf %add3A_407, %exp3A_399 : vector<16xf32>
          %div3A_409 = arith.divf %exp3A_399, %add3A_408 : vector<16xf32>
          %mul3A_410 = arith.mulf %div3A_409, %div3A_409 : vector<16xf32>
          %mul3A_411 = arith.constant 0.142857149 : f32
          %mul3A_412 = vector.broadcast %mul3A_411 : f32 to vector<16xf32>
          %mul3A_413 = arith.mulf %mul3A_410, %mul3A_412 : vector<16xf32>
          %add3A_414 = arith.constant 2.000000e-01 : f32
          %add3A_415 = vector.broadcast %add3A_414 : f32 to vector<16xf32>
          %add3A_416 = arith.addf %add3A_415, %mul3A_413 : vector<16xf32>
          %mul3A_417 = arith.mulf %mul3A_410, %add3A_416 : vector<16xf32>
          %add3A_418 = arith.constant 0.333333343 : f32
          %add3A_419 = vector.broadcast %add3A_418 : f32 to vector<16xf32>
          %add3A_420 = arith.addf %add3A_419, %mul3A_417 : vector<16xf32>
          %mul3A_421 = arith.mulf %mul3A_410, %add3A_420 : vector<16xf32>
          %add3A_422 = arith.constant 1.000000e+00 : f32
          %add3A_423 = vector.broadcast %add3A_422 : f32 to vector<16xf32>
          %add3A_424 = arith.addf %add3A_423, %mul3A_421 : vector<16xf32>
          %mul3A_425 = arith.constant 2.000000e+00 : f32
          %mul3A_426 = vector.broadcast %mul3A_425 : f32 to vector<16xf32>
          %mul3A_427 = arith.mulf %mul3A_426, %div3A_409 : vector<16xf32>
          %mul3A_428 = arith.mulf %mul3A_427, %add3A_424 : vector<16xf32>
          %mul3A_429 = arith.mulf %exp3A_399, %div3A_405 : vector<16xf32>
          %add3A_430 = arith.addf %abs3A_395, %mul3A_428 : vector<16xf32>
          %mul3A_431 = arith.mulf %div3A_405, %div3A_405 : vector<16xf32>
          %mul3A_432 = arith.mulf %mul3A_431, %add3A_430 : vector<16xf32>
          %mul3A_433 = arith.mulf %mul3A_429, %mul3A_429 : vector<16xf32>
          %mul3A_434 = arith.mulf %mul3A_433, %mul3A_428 : vector<16xf32>
          %gt3A_435 = arith.constant 0.000000e+00 : f32
          %gt3A_436 = vector.broadcast %gt3A_435 : f32 to vector<16xf32>
          %gt3A_437 = arith.cmpf ogt, %get3A_394, %gt3A_436 : vector<16xf32>
          %ge3A_438 = arith.constant 0.000000e+00 : f32
          %ge3A_439 = vector.broadcast %ge3A_438 : f32 to vector<16xf32>
          %ge3A_440 = arith.cmpf oge, %get3A_386, %ge3A_439 : vector<16xf32>
          %ne3A_441 = arith.xori %ge3A_440, %gt3A_437 : vector<16xi1>
          %select_n3A_442 = arith.select %ne3A_441, %mul3A_432, %mul3A_434 : vector<16xi1>, vector<16xf32>
          %jit3A_443 = arith.constant 2.500000e-01 : f32
          %jit3A_444 = arith.constant 7.500000e-01 : f32
          %broadcast_in_dim3A_445 = vector.broadcast %jit3A_443 : f32 to vector<16xf32>
          %broadcast_in_dim3A_446 = vector.broadcast %jit3A_444 : f32 to vector<16xf32>
          %select_n3A_447 = arith.select %gt3A_437, %broadcast_in_dim3A_445, %broadcast_in_dim3A_446 : vector<16xi1>, vector<16xf32>
          %mul3A_448 = arith.mulf %select_n3A_447, %select_n3A_442 : vector<16xf32>
          %add3A_449 = arith.addf %add3A_377, %mul3A_448 : vector<16xf32>
          %max3A_450 = arith.maximumf %max3A_378, %get3A_394 : vector<16xf32>
          %get3A_451 = arith.constant 0 : i32
          %get3A_452 = arith.constant 5 : i32
          %get3A_453 = arith.index_cast %scan3A_97 : i32 to index
          %get3A_454 = arith.index_cast %get3A_451 : i32 to index
          %get3A_455 = arith.index_cast %get3A_452 : i32 to index
          %get3A_456 = arith.index_cast %mul3A_87 : i32 to index
          %get3A_457 = tpu.vector_load %arg6[%get3A_453, %get3A_454, %get3A_455, %get3A_456] {strides = array<i32>} : memref<10x1x8x128xf32, #tpu.memory_space<vmem>>, vector<1x1x1x16xf32>,
          %get3A_458 = vector.shape_cast %get3A_457 : vector<1x1x1x16xf32> to vector<16xf32>
          %get3A_459 = arith.constant 0 : i32
          %get3A_460 = arith.constant 5 : i32
          %get3A_461 = arith.index_cast %scan3A_97 : i32 to index
          %get3A_462 = arith.index_cast %get3A_459 : i32 to index
          %get3A_463 = arith.index_cast %get3A_460 : i32 to index
          %get3A_464 = arith.index_cast %mul3A_87 : i32 to index
          %get3A_465 = tpu.vector_load %arg7[%get3A_461, %get3A_462, %get3A_463, %get3A_464] {strides = array<i32>} : memref<10x1x8x128xf32, #tpu.memory_space<vmem>>, vector<1x1x1x16xf32>,
          %get3A_466 = vector.shape_cast %get3A_465 : vector<1x1x1x16xf32> to vector<16xf32>
          %abs3A_467 = math.absf %get3A_458 : vector<16xf32>
          %neg3A_468 = arith.constant 0.000000e+00 : f32
          %neg3A_469 = vector.broadcast %neg3A_468 : f32 to vector<16xf32>
          %neg3A_470 = arith.subf %neg3A_469, %abs3A_467 : vector<16xf32>
          %exp3A_471 = math.exp %neg3A_470 : vector<16xf32>
          %add3A_472 = arith.constant 1.000000e+00 : f32
          %add3A_473 = vector.broadcast %add3A_472 : f32 to vector<16xf32>
          %add3A_474 = arith.addf %add3A_473, %exp3A_471 : vector<16xf32>
          %div3A_475 = arith.constant 1.000000e+00 : f32
          %div3A_476 = vector.broadcast %div3A_475 : f32 to vector<16xf32>
          %div3A_477 = arith.divf %div3A_476, %add3A_474 : vector<16xf32>
          %add3A_478 = arith.constant 2.000000e+00 : f32
          %add3A_479 = vector.broadcast %add3A_478 : f32 to vector<16xf32>
          %add3A_480 = arith.addf %add3A_479, %exp3A_471 : vector<16xf32>
          %div3A_481 = arith.divf %exp3A_471, %add3A_480 : vector<16xf32>
          %mul3A_482 = arith.mulf %div3A_481, %div3A_481 : vector<16xf32>
          %mul3A_483 = arith.constant 0.142857149 : f32
          %mul3A_484 = vector.broadcast %mul3A_483 : f32 to vector<16xf32>
          %mul3A_485 = arith.mulf %mul3A_482, %mul3A_484 : vector<16xf32>
          %add3A_486 = arith.constant 2.000000e-01 : f32
          %add3A_487 = vector.broadcast %add3A_486 : f32 to vector<16xf32>
          %add3A_488 = arith.addf %add3A_487, %mul3A_485 : vector<16xf32>
          %mul3A_489 = arith.mulf %mul3A_482, %add3A_488 : vector<16xf32>
          %add3A_490 = arith.constant 0.333333343 : f32
          %add3A_491 = vector.broadcast %add3A_490 : f32 to vector<16xf32>
          %add3A_492 = arith.addf %add3A_491, %mul3A_489 : vector<16xf32>
          %mul3A_493 = arith.mulf %mul3A_482, %add3A_492 : vector<16xf32>
          %add3A_494 = arith.constant 1.000000e+00 : f32
          %add3A_495 = vector.broadcast %add3A_494 : f32 to vector<16xf32>
          %add3A_496 = arith.addf %add3A_495, %mul3A_493 : vector<16xf32>
          %mul3A_497 = arith.constant 2.000000e+00 : f32
          %mul3A_498 = vector.broadcast %mul3A_497 : f32 to vector<16xf32>
          %mul3A_499 = arith.mulf %mul3A_498, %div3A_481 : vector<16xf32>
          %mul3A_500 = arith.mulf %mul3A_499, %add3A_496 : vector<16xf32>
          %mul3A_501 = arith.mulf %exp3A_471, %div3A_477 : vector<16xf32>
          %add3A_502 = arith.addf %abs3A_467, %mul3A_500 : vector<16xf32>
          %mul3A_503 = arith.mulf %div3A_477, %div3A_477 : vector<16xf32>
          %mul3A_504 = arith.mulf %mul3A_503, %add3A_502 : vector<16xf32>
          %mul3A_505 = arith.mulf %mul3A_501, %mul3A_501 : vector<16xf32>
          %mul3A_506 = arith.mulf %mul3A_505, %mul3A_500 : vector<16xf32>
          %gt3A_507 = arith.constant 0.000000e+00 : f32
          %gt3A_508 = vector.broadcast %gt3A_507 : f32 to vector<16xf32>
          %gt3A_509 = arith.cmpf ogt, %get3A_466, %gt3A_508 : vector<16xf32>
          %ge3A_510 = arith.constant 0.000000e+00 : f32
          %ge3A_511 = vector.broadcast %ge3A_510 : f32 to vector<16xf32>
          %ge3A_512 = arith.cmpf oge, %get3A_458, %ge3A_511 : vector<16xf32>
          %ne3A_513 = arith.xori %ge3A_512, %gt3A_509 : vector<16xi1>
          %select_n3A_514 = arith.select %ne3A_513, %mul3A_504, %mul3A_506 : vector<16xi1>, vector<16xf32>
          %jit3A_515 = arith.constant 2.500000e-01 : f32
          %jit3A_516 = arith.constant 7.500000e-01 : f32
          %broadcast_in_dim3A_517 = vector.broadcast %jit3A_515 : f32 to vector<16xf32>
          %broadcast_in_dim3A_518 = vector.broadcast %jit3A_516 : f32 to vector<16xf32>
          %select_n3A_519 = arith.select %gt3A_509, %broadcast_in_dim3A_517, %broadcast_in_dim3A_518 : vector<16xi1>, vector<16xf32>
          %mul3A_520 = arith.mulf %select_n3A_519, %select_n3A_514 : vector<16xf32>
          %add3A_521 = arith.addf %add3A_449, %mul3A_520 : vector<16xf32>
          %max3A_522 = arith.maximumf %max3A_450, %get3A_466 : vector<16xf32>
          %get3A_523 = arith.constant 0 : i32
          %get3A_524 = arith.constant 6 : i32
          %get3A_525 = arith.index_cast %scan3A_97 : i32 to index
          %get3A_526 = arith.index_cast %get3A_523 : i32 to index
          %get3A_527 = arith.index_cast %get3A_524 : i32 to index
          %get3A_528 = arith.index_cast %mul3A_87 : i32 to index
          %get3A_529 = tpu.vector_load %arg6[%get3A_525, %get3A_526, %get3A_527, %get3A_528] {strides = array<i32>} : memref<10x1x8x128xf32, #tpu.memory_space<vmem>>, vector<1x1x1x16xf32>,
          %get3A_530 = vector.shape_cast %get3A_529 : vector<1x1x1x16xf32> to vector<16xf32>
          %get3A_531 = arith.constant 0 : i32
          %get3A_532 = arith.constant 6 : i32
          %get3A_533 = arith.index_cast %scan3A_97 : i32 to index
          %get3A_534 = arith.index_cast %get3A_531 : i32 to index
          %get3A_535 = arith.index_cast %get3A_532 : i32 to index
          %get3A_536 = arith.index_cast %mul3A_87 : i32 to index
          %get3A_537 = tpu.vector_load %arg7[%get3A_533, %get3A_534, %get3A_535, %get3A_536] {strides = array<i32>} : memref<10x1x8x128xf32, #tpu.memory_space<vmem>>, vector<1x1x1x16xf32>,
          %get3A_538 = vector.shape_cast %get3A_537 : vector<1x1x1x16xf32> to vector<16xf32>
          %abs3A_539 = math.absf %get3A_530 : vector<16xf32>
          %neg3A_540 = arith.constant 0.000000e+00 : f32
          %neg3A_541 = vector.broadcast %neg3A_540 : f32 to vector<16xf32>
          %neg3A_542 = arith.subf %neg3A_541, %abs3A_539 : vector<16xf32>
          %exp3A_543 = math.exp %neg3A_542 : vector<16xf32>
          %add3A_544 = arith.constant 1.000000e+00 : f32
          %add3A_545 = vector.broadcast %add3A_544 : f32 to vector<16xf32>
          %add3A_546 = arith.addf %add3A_545, %exp3A_543 : vector<16xf32>
          %div3A_547 = arith.constant 1.000000e+00 : f32
          %div3A_548 = vector.broadcast %div3A_547 : f32 to vector<16xf32>
          %div3A_549 = arith.divf %div3A_548, %add3A_546 : vector<16xf32>
          %add3A_550 = arith.constant 2.000000e+00 : f32
          %add3A_551 = vector.broadcast %add3A_550 : f32 to vector<16xf32>
          %add3A_552 = arith.addf %add3A_551, %exp3A_543 : vector<16xf32>
          %div3A_553 = arith.divf %exp3A_543, %add3A_552 : vector<16xf32>
          %mul3A_554 = arith.mulf %div3A_553, %div3A_553 : vector<16xf32>
          %mul3A_555 = arith.constant 0.142857149 : f32
          %mul3A_556 = vector.broadcast %mul3A_555 : f32 to vector<16xf32>
          %mul3A_557 = arith.mulf %mul3A_554, %mul3A_556 : vector<16xf32>
          %add3A_558 = arith.constant 2.000000e-01 : f32
          %add3A_559 = vector.broadcast %add3A_558 : f32 to vector<16xf32>
          %add3A_560 = arith.addf %add3A_559, %mul3A_557 : vector<16xf32>
          %mul3A_561 = arith.mulf %mul3A_554, %add3A_560 : vector<16xf32>
          %add3A_562 = arith.constant 0.333333343 : f32
          %add3A_563 = vector.broadcast %add3A_562 : f32 to vector<16xf32>
          %add3A_564 = arith.addf %add3A_563, %mul3A_561 : vector<16xf32>
          %mul3A_565 = arith.mulf %mul3A_554, %add3A_564 : vector<16xf32>
          %add3A_566 = arith.constant 1.000000e+00 : f32
          %add3A_567 = vector.broadcast %add3A_566 : f32 to vector<16xf32>
          %add3A_568 = arith.addf %add3A_567, %mul3A_565 : vector<16xf32>
          %mul3A_569 = arith.constant 2.000000e+00 : f32
          %mul3A_570 = vector.broadcast %mul3A_569 : f32 to vector<16xf32>
          %mul3A_571 = arith.mulf %mul3A_570, %div3A_553 : vector<16xf32>
          %mul3A_572 = arith.mulf %mul3A_571, %add3A_568 : vector<16xf32>
          %mul3A_573 = arith.mulf %exp3A_543, %div3A_549 : vector<16xf32>
          %add3A_574 = arith.addf %abs3A_539, %mul3A_572 : vector<16xf32>
          %mul3A_575 = arith.mulf %div3A_549, %div3A_549 : vector<16xf32>
          %mul3A_576 = arith.mulf %mul3A_575, %add3A_574 : vector<16xf32>
          %mul3A_577 = arith.mulf %mul3A_573, %mul3A_573 : vector<16xf32>
          %mul3A_578 = arith.mulf %mul3A_577, %mul3A_572 : vector<16xf32>
          %gt3A_579 = arith.constant 0.000000e+00 : f32
          %gt3A_580 = vector.broadcast %gt3A_579 : f32 to vector<16xf32>
          %gt3A_581 = arith.cmpf ogt, %get3A_538, %gt3A_580 : vector<16xf32>
          %ge3A_582 = arith.constant 0.000000e+00 : f32
          %ge3A_583 = vector.broadcast %ge3A_582 : f32 to vector<16xf32>
          %ge3A_584 = arith.cmpf oge, %get3A_530, %ge3A_583 : vector<16xf32>
          %ne3A_585 = arith.xori %ge3A_584, %gt3A_581 : vector<16xi1>
          %select_n3A_586 = arith.select %ne3A_585, %mul3A_576, %mul3A_578 : vector<16xi1>, vector<16xf32>
          %jit3A_587 = arith.constant 2.500000e-01 : f32
          %jit3A_588 = arith.constant 7.500000e-01 : f32
          %broadcast_in_dim3A_589 = vector.broadcast %jit3A_587 : f32 to vector<16xf32>
          %broadcast_in_dim3A_590 = vector.broadcast %jit3A_588 : f32 to vector<16xf32>
          %select_n3A_591 = arith.select %gt3A_581, %broadcast_in_dim3A_589, %broadcast_in_dim3A_590 : vector<16xi1>, vector<16xf32>
          %mul3A_592 = arith.mulf %select_n3A_591, %select_n3A_586 : vector<16xf32>
          %add3A_593 = arith.addf %add3A_521, %mul3A_592 : vector<16xf32>
          %max3A_594 = arith.maximumf %max3A_522, %get3A_538 : vector<16xf32>
          %get3A_595 = arith.constant 0 : i32
          %get3A_596 = arith.constant 7 : i32
          %get3A_597 = arith.index_cast %scan3A_97 : i32 to index
          %get3A_598 = arith.index_cast %get3A_595 : i32 to index
          %get3A_599 = arith.index_cast %get3A_596 : i32 to index
          %get3A_600 = arith.index_cast %mul3A_87 : i32 to index
          %get3A_601 = tpu.vector_load %arg6[%get3A_597, %get3A_598, %get3A_599, %get3A_600] {strides = array<i32>} : memref<10x1x8x128xf32, #tpu.memory_space<vmem>>, vector<1x1x1x16xf32>,
          %get3A_602 = vector.shape_cast %get3A_601 : vector<1x1x1x16xf32> to vector<16xf32>
          %get3A_603 = arith.constant 0 : i32
          %get3A_604 = arith.constant 7 : i32
          %get3A_605 = arith.index_cast %scan3A_97 : i32 to index
          %get3A_606 = arith.index_cast %get3A_603 : i32 to index
          %get3A_607 = arith.index_cast %get3A_604 : i32 to index
          %get3A_608 = arith.index_cast %mul3A_87 : i32 to index
          %get3A_609 = tpu.vector_load %arg7[%get3A_605, %get3A_606, %get3A_607, %get3A_608] {strides = array<i32>} : memref<10x1x8x128xf32, #tpu.memory_space<vmem>>, vector<1x1x1x16xf32>,
          %get3A_610 = vector.shape_cast %get3A_609 : vector<1x1x1x16xf32> to vector<16xf32>
          %abs3A_611 = math.absf %get3A_602 : vector<16xf32>
          %neg3A_612 = arith.constant 0.000000e+00 : f32
          %neg3A_613 = vector.broadcast %neg3A_612 : f32 to vector<16xf32>
          %neg3A_614 = arith.subf %neg3A_613, %abs3A_611 : vector<16xf32>
          %exp3A_615 = math.exp %neg3A_614 : vector<16xf32>
          %add3A_616 = arith.constant 1.000000e+00 : f32
          %add3A_617 = vector.broadcast %add3A_616 : f32 to vector<16xf32>
          %add3A_618 = arith.addf %add3A_617, %exp3A_615 : vector<16xf32>
          %div3A_619 = arith.constant 1.000000e+00 : f32
          %div3A_620 = vector.broadcast %div3A_619 : f32 to vector<16xf32>
          %div3A_621 = arith.divf %div3A_620, %add3A_618 : vector<16xf32>
          %add3A_622 = arith.constant 2.000000e+00 : f32
          %add3A_623 = vector.broadcast %add3A_622 : f32 to vector<16xf32>
          %add3A_624 = arith.addf %add3A_623, %exp3A_615 : vector<16xf32>
          %div3A_625 = arith.divf %exp3A_615, %add3A_624 : vector<16xf32>
          %mul3A_626 = arith.mulf %div3A_625, %div3A_625 : vector<16xf32>
          %mul3A_627 = arith.constant 0.142857149 : f32
          %mul3A_628 = vector.broadcast %mul3A_627 : f32 to vector<16xf32>
          %mul3A_629 = arith.mulf %mul3A_626, %mul3A_628 : vector<16xf32>
          %add3A_630 = arith.constant 2.000000e-01 : f32
          %add3A_631 = vector.broadcast %add3A_630 : f32 to vector<16xf32>
          %add3A_632 = arith.addf %add3A_631, %mul3A_629 : vector<16xf32>
          %mul3A_633 = arith.mulf %mul3A_626, %add3A_632 : vector<16xf32>
          %add3A_634 = arith.constant 0.333333343 : f32
          %add3A_635 = vector.broadcast %add3A_634 : f32 to vector<16xf32>
          %add3A_636 = arith.addf %add3A_635, %mul3A_633 : vector<16xf32>
          %mul3A_637 = arith.mulf %mul3A_626, %add3A_636 : vector<16xf32>
          %add3A_638 = arith.constant 1.000000e+00 : f32
          %add3A_639 = vector.broadcast %add3A_638 : f32 to vector<16xf32>
          %add3A_640 = arith.addf %add3A_639, %mul3A_637 : vector<16xf32>
          %mul3A_641 = arith.constant 2.000000e+00 : f32
          %mul3A_642 = vector.broadcast %mul3A_641 : f32 to vector<16xf32>
          %mul3A_643 = arith.mulf %mul3A_642, %div3A_625 : vector<16xf32>
          %mul3A_644 = arith.mulf %mul3A_643, %add3A_640 : vector<16xf32>
          %mul3A_645 = arith.mulf %exp3A_615, %div3A_621 : vector<16xf32>
          %add3A_646 = arith.addf %abs3A_611, %mul3A_644 : vector<16xf32>
          %mul3A_647 = arith.mulf %div3A_621, %div3A_621 : vector<16xf32>
          %mul3A_648 = arith.mulf %mul3A_647, %add3A_646 : vector<16xf32>
          %mul3A_649 = arith.mulf %mul3A_645, %mul3A_645 : vector<16xf32>
          %mul3A_650 = arith.mulf %mul3A_649, %mul3A_644 : vector<16xf32>
          %gt3A_651 = arith.constant 0.000000e+00 : f32
          %gt3A_652 = vector.broadcast %gt3A_651 : f32 to vector<16xf32>
          %gt3A_653 = arith.cmpf ogt, %get3A_610, %gt3A_652 : vector<16xf32>
          %ge3A_654 = arith.constant 0.000000e+00 : f32
          %ge3A_655 = vector.broadcast %ge3A_654 : f32 to vector<16xf32>
          %ge3A_656 = arith.cmpf oge, %get3A_602, %ge3A_655 : vector<16xf32>
          %ne3A_657 = arith.xori %ge3A_656, %gt3A_653 : vector<16xi1>
          %select_n3A_658 = arith.select %ne3A_657, %mul3A_648, %mul3A_650 : vector<16xi1>, vector<16xf32>
          %jit3A_659 = arith.constant 2.500000e-01 : f32
          %jit3A_660 = arith.constant 7.500000e-01 : f32
          %broadcast_in_dim3A_661 = vector.broadcast %jit3A_659 : f32 to vector<16xf32>
          %broadcast_in_dim3A_662 = vector.broadcast %jit3A_660 : f32 to vector<16xf32>
          %select_n3A_663 = arith.select %gt3A_653, %broadcast_in_dim3A_661, %broadcast_in_dim3A_662 : vector<16xi1>, vector<16xf32>
          %mul3A_664 = arith.mulf %select_n3A_663, %select_n3A_658 : vector<16xf32>
          %add3A_665 = arith.addf %add3A_593, %mul3A_664 : vector<16xf32>
          %max3A_666 = arith.maximumf %max3A_594, %get3A_610 : vector<16xf32>
          scf.yield %add3A_665, %max3A_666 : vector<16xf32>, vector<16xf32>
        }
        %scan3A_95 = arith.constant 10 : i32
        %add3A_96 = arith.addf %scan3A_85, %scan3A_94#1 : vector<16xf32>
        scf.yield %scan3A_94#0, %add3A_96 : vector<16xf32>, vector<16xf32>
      }
      %scan3A_82 = arith.constant 8 : i32
      scf.yield %scan3A_81#0, %scan3A_81#1 : vector<16xf32>, vector<16xf32>
    }
    %swap3A = arith.constant 0 : i32
    %swap3A_18 = arith.constant 0 : i32
    %swap3A_19 = arith.constant 0 : i32
    %swap3A_20 = arith.index_cast %swap3A : i32 to index
    %swap3A_21 = arith.index_cast %swap3A_18 : i32 to index
    %swap3A_22 = arith.index_cast %swap3A_19 : i32 to index
    %swap3A_23 = arith.constant 0 : index
    %swap3A_24 = tpu.vector_load %arg6[%swap3A_20, %swap3A_21, %swap3A_22, %swap3A_23] {strides = array<i32>} : memref<10x1x8x128xf32, #tpu.memory_space<vmem>>, vector<1x1x1x16xf32>,
    %swap3A_25 = vector.shape_cast %swap3A_24 : vector<1x1x1x16xf32> to vector<16xf32>
    %swap3A_26 = vector.shape_cast %while3A_17#0 : vector<16xf32> to vector<1x1x1x16xf32>
    tpu.vector_store %arg6[%swap3A_20, %swap3A_21, %swap3A_22, %swap3A_23], %swap3A_26 {strides = array<i32>} : memref<10x1x8x128xf32, #tpu.memory_space<vmem>>, vector<1x1x1x16xf32>,
    %swap3A_27 = arith.constant 0 : i32
    %swap3A_28 = arith.constant 0 : i32
    %swap3A_29 = arith.constant 0 : i32
    %swap3A_30 = arith.index_cast %swap3A_27 : i32 to index
    %swap3A_31 = arith.index_cast %swap3A_28 : i32 to index
    %swap3A_32 = arith.index_cast %swap3A_29 : i32 to index
    %swap3A_33 = arith.constant 0 : index
    %swap3A_34 = tpu.vector_load %arg7[%swap3A_30, %swap3A_31, %swap3A_32, %swap3A_33] {strides = array<i32>} : memref<10x1x8x128xf32, #tpu.memory_space<vmem>>, vector<1x1x1x16xf32>,
    %swap3A_35 = vector.shape_cast %swap3A_34 : vector<1x1x1x16xf32> to vector<16xf32>
    %swap3A_36 = vector.shape_cast %while3A_17#1 : vector<16xf32> to vector<1x1x1x16xf32>
    tpu.vector_store %arg7[%swap3A_30, %swap3A_31, %swap3A_32, %swap3A_33], %swap3A_36 {strides = array<i32>} : memref<10x1x8x128xf32, #tpu.memory_space<vmem>>, vector<1x1x1x16xf32>,
    %run_scoped3A = arith.constant 0 : i32
    %run_scoped3A_37 = arith.constant 0 : i32
    %run_scoped3A_38 = arith.constant 0 : i32
    "tpu.region"() ({
      %run_scoped3A_42 = tpu.sem_alloc : memref<!tpu.dma_semaphore, #tpu.memory_space<semaphore_mem>>
      %dma_start3A = arith.constant 0 : i32
      %dma_start3A_43 = tpu.memref_slice %arg6[%run_scoped3A, %run_scoped3A_37, %run_scoped3A_38, %dma_start3A] : memref<10x1x8x128xf32, #tpu.memory_space<vmem>> -> memref<1x1x1x16xf32, #tpu.memory_space<vmem>>
      %dma_start3A_44 = tpu.memref_squeeze %dma_start3A_43 : memref<1x1x1x16xf32, #tpu.memory_space<vmem>> -> memref<16xf32, #tpu.memory_space<vmem>>
      %dma_start3A_45 = arith.constant 0 : i32
      %dma_start3A_46 = tpu.memref_slice %arg4[%add3A, %dma_start3A_45] : memref<32x16xf32, #tpu.memory_space<hbm>> -> memref<1x16xf32, #tpu.memory_space<hbm>>
      %dma_start3A_47 = tpu.memref_squeeze %dma_start3A_46 : memref<1x16xf32, #tpu.memory_space<hbm>> -> memref<16xf32, #tpu.memory_space<hbm>>
      %dma_start3A_48 = arith.constant 0 : i32
      %dma_start3A_49 = tpu.memref_slice %arg4[%add3A, %dma_start3A_48] : memref<32x16xf32, #tpu.memory_space<hbm>> -> memref<1x16xf32, #tpu.memory_space<hbm>>
      %dma_start3A_50 = tpu.memref_squeeze %dma_start3A_49 : memref<1x16xf32, #tpu.memory_space<hbm>> -> memref<16xf32, #tpu.memory_space<hbm>>
      %dma_start3A_51 = arith.constant 0 : i32
      %dma_start3A_52 = tpu.memref_slice %arg6[%run_scoped3A, %run_scoped3A_37, %run_scoped3A_38, %dma_start3A_51] : memref<10x1x8x128xf32, #tpu.memory_space<vmem>> -> memref<1x1x1x16xf32, #tpu.memory_space<vmem>>
      %dma_start3A_53 = tpu.memref_squeeze %dma_start3A_52 : memref<1x1x1x16xf32, #tpu.memory_space<vmem>> -> memref<16xf32, #tpu.memory_space<vmem>>
      tpu.enqueue_dma source(%dma_start3A_53 : memref<16xf32, #tpu.memory_space<vmem>>) target(%dma_start3A_50 : memref<16xf32, #tpu.memory_space<hbm>>) target_semaphore(%run_scoped3A_42 : memref<!tpu.dma_semaphore, #tpu.memory_space<semaphore_mem>>)
      %dma_wait3A = arith.constant 0 : i32
      %dma_wait3A_54 = tpu.memref_slice %arg6[%run_scoped3A, %run_scoped3A_37, %run_scoped3A_38, %dma_wait3A] : memref<10x1x8x128xf32, #tpu.memory_space<vmem>> -> memref<1x1x1x16xf32, #tpu.memory_space<vmem>>
      %dma_wait3A_55 = tpu.memref_squeeze %dma_wait3A_54 : memref<1x1x1x16xf32, #tpu.memory_space<vmem>> -> memref<16xf32, #tpu.memory_space<vmem>>
      %dma_wait3A_56 = arith.constant 0 : i32
      %dma_wait3A_57 = tpu.memref_slice %arg4[%add3A, %dma_wait3A_56] : memref<32x16xf32, #tpu.memory_space<hbm>> -> memref<1x16xf32, #tpu.memory_space<hbm>>
      %dma_wait3A_58 = tpu.memref_squeeze %dma_wait3A_57 : memref<1x16xf32, #tpu.memory_space<hbm>> -> memref<16xf32, #tpu.memory_space<hbm>>
      %dma_wait3A_59 = arith.constant 0 : i32
      %dma_wait3A_60 = tpu.memref_slice %arg4[%add3A, %dma_wait3A_59] : memref<32x16xf32, #tpu.memory_space<hbm>> -> memref<1x16xf32, #tpu.memory_space<hbm>>
      %dma_wait3A_61 = tpu.memref_squeeze %dma_wait3A_60 : memref<1x16xf32, #tpu.memory_space<hbm>> -> memref<16xf32, #tpu.memory_space<hbm>>
      %dma_wait3A_62 = arith.constant 0 : i32
      %dma_wait3A_63 = tpu.memref_slice %arg6[%run_scoped3A, %run_scoped3A_37, %run_scoped3A_38, %dma_wait3A_62] : memref<10x1x8x128xf32, #tpu.memory_space<vmem>> -> memref<1x1x1x16xf32, #tpu.memory_space<vmem>>
      %dma_wait3A_64 = tpu.memref_squeeze %dma_wait3A_63 : memref<1x1x1x16xf32, #tpu.memory_space<vmem>> -> memref<16xf32, #tpu.memory_space<vmem>>
      tpu.wait_dma2 semaphore(%run_scoped3A_42 : memref<!tpu.dma_semaphore, #tpu.memory_space<semaphore_mem>>) src(%dma_wait3A_64 : memref<16xf32, #tpu.memory_space<vmem>>) dst(%dma_wait3A_61 : memref<16xf32, #tpu.memory_space<hbm>>)
      tpu.yield
    }) : () -> ()
    %run_scoped3A_39 = arith.constant 0 : i32
    %run_scoped3A_40 = arith.constant 0 : i32
    %run_scoped3A_41 = arith.constant 0 : i32
    "tpu.region"() ({
      %run_scoped3A_42 = tpu.sem_alloc : memref<!tpu.dma_semaphore, #tpu.memory_space<semaphore_mem>>
      %dma_start3A = arith.constant 0 : i32
      %dma_start3A_43 = tpu.memref_slice %arg7[%run_scoped3A_39, %run_scoped3A_40, %run_scoped3A_41, %dma_start3A] : memref<10x1x8x128xf32, #tpu.memory_space<vmem>> -> memref<1x1x1x16xf32, #tpu.memory_space<vmem>>
      %dma_start3A_44 = tpu.memref_squeeze %dma_start3A_43 : memref<1x1x1x16xf32, #tpu.memory_space<vmem>> -> memref<16xf32, #tpu.memory_space<vmem>>
      %dma_start3A_45 = arith.constant 0 : i32
      %dma_start3A_46 = tpu.memref_slice %arg5[%add3A, %dma_start3A_45] : memref<32x16xf32, #tpu.memory_space<hbm>> -> memref<1x16xf32, #tpu.memory_space<hbm>>
      %dma_start3A_47 = tpu.memref_squeeze %dma_start3A_46 : memref<1x16xf32, #tpu.memory_space<hbm>> -> memref<16xf32, #tpu.memory_space<hbm>>
      %dma_start3A_48 = arith.constant 0 : i32
      %dma_start3A_49 = tpu.memref_slice %arg5[%add3A, %dma_start3A_48] : memref<32x16xf32, #tpu.memory_space<hbm>> -> memref<1x16xf32, #tpu.memory_space<hbm>>
      %dma_start3A_50 = tpu.memref_squeeze %dma_start3A_49 : memref<1x16xf32, #tpu.memory_space<hbm>> -> memref<16xf32, #tpu.memory_space<hbm>>
      %dma_start3A_51 = arith.constant 0 : i32
      %dma_start3A_52 = tpu.memref_slice %arg7[%run_scoped3A_39, %run_scoped3A_40, %run_scoped3A_41, %dma_start3A_51] : memref<10x1x8x128xf32, #tpu.memory_space<vmem>> -> memref<1x1x1x16xf32, #tpu.memory_space<vmem>>
      %dma_start3A_53 = tpu.memref_squeeze %dma_start3A_52 : memref<1x1x1x16xf32, #tpu.memory_space<vmem>> -> memref<16xf32, #tpu.memory_space<vmem>>
      tpu.enqueue_dma source(%dma_start3A_53 : memref<16xf32, #tpu.memory_space<vmem>>) target(%dma_start3A_50 : memref<16xf32, #tpu.memory_space<hbm>>) target_semaphore(%run_scoped3A_42 : memref<!tpu.dma_semaphore, #tpu.memory_space<semaphore_mem>>)
      %dma_wait3A = arith.constant 0 : i32
      %dma_wait3A_54 = tpu.memref_slice %arg7[%run_scoped3A_39, %run_scoped3A_40, %run_scoped3A_41, %dma_wait3A] : memref<10x1x8x128xf32, #tpu.memory_space<vmem>> -> memref<1x1x1x16xf32, #tpu.memory_space<vmem>>
      %dma_wait3A_55 = tpu.memref_squeeze %dma_wait3A_54 : memref<1x1x1x16xf32, #tpu.memory_space<vmem>> -> memref<16xf32, #tpu.memory_space<vmem>>
      %dma_wait3A_56 = arith.constant 0 : i32
      %dma_wait3A_57 = tpu.memref_slice %arg5[%add3A, %dma_wait3A_56] : memref<32x16xf32, #tpu.memory_space<hbm>> -> memref<1x16xf32, #tpu.memory_space<hbm>>
      %dma_wait3A_58 = tpu.memref_squeeze %dma_wait3A_57 : memref<1x16xf32, #tpu.memory_space<hbm>> -> memref<16xf32, #tpu.memory_space<hbm>>
      %dma_wait3A_59 = arith.constant 0 : i32
      %dma_wait3A_60 = tpu.memref_slice %arg5[%add3A, %dma_wait3A_59] : memref<32x16xf32, #tpu.memory_space<hbm>> -> memref<1x16xf32, #tpu.memory_space<hbm>>
      %dma_wait3A_61 = tpu.memref_squeeze %dma_wait3A_60 : memref<1x16xf32, #tpu.memory_space<hbm>> -> memref<16xf32, #tpu.memory_space<hbm>>
      %dma_wait3A_62 = arith.constant 0 : i32
      %dma_wait3A_63 = tpu.memref_slice %arg7[%run_scoped3A_39, %run_scoped3A_40, %run_scoped3A_41, %dma_wait3A_62] : memref<10x1x8x128xf32, #tpu.memory_space<vmem>> -> memref<1x1x1x16xf32, #tpu.memory_space<vmem>>
      %dma_wait3A_64 = tpu.memref_squeeze %dma_wait3A_63 : memref<1x1x1x16xf32, #tpu.memory_space<vmem>> -> memref<16xf32, #tpu.memory_space<vmem>>
      tpu.wait_dma2 semaphore(%run_scoped3A_42 : memref<!tpu.dma_semaphore, #tpu.memory_space<semaphore_mem>>) src(%dma_wait3A_64 : memref<16xf32, #tpu.memory_space<vmem>>) dst(%dma_wait3A_61 : memref<16xf32, #tpu.memory_space<hbm>>)
      tpu.yield
    }) : () -> ()
    return
  }
}

module attributes {stable_mosaic.version = 14 : i64} {
  func.func @_tc_body(%arg0: i32, %arg1: memref<80x10752xf32, #tpu.memory_space<vmem>>, %arg2: memref<80x10752xf32, #tpu.memory_space<vmem>>, %arg3: memref<1x2xf32, #tpu.memory_space<smem>>, %arg4: memref<2xf32, #tpu.memory_space<smem>>) attributes {dimension_semantics = [#tpu.dimension_semantics<arbitrary>], iteration_bounds = array<i64: 10>, scalar_prefetch = 0 : i64, scratch_operands = 1 : i64, tpu.core_type = #tpu.core_type<tc>, window_params = [{transform_indices = @transform_0, window_bounds = array<i64: 80, 10752>}, {transform_indices = @transform_1, window_bounds = array<i64: 80, 10752>}, {transform_indices = @transform_2, window_bounds = array<i64: 1, 2>}]} {
    %eq3A = arith.constant 0 : i32
    %eq3A_0 = arith.cmpi eq, %arg0, %eq3A : i32
    %convert_element_type3A = arith.extui %eq3A_0 : i1 to i32
    %cond3A = arith.constant 0 : i32
    %cond3A_1 = arith.cmpi ne, %convert_element_type3A, %cond3A : i32
    scf.if %cond3A_1 {
      %swap3A_53 = arith.constant 0.000000e+00 : f32
      %swap3A_54 = arith.constant 0 : index
      %swap3A_55 = memref.load %arg4[%swap3A_54] : memref<2xf32, #tpu.memory_space<smem>>
      memref.store %swap3A_53, %arg4[%swap3A_54] : memref<2xf32, #tpu.memory_space<smem>>
      %swap3A_56 = arith.constant 0.000000e+00 : f32
      %swap3A_57 = arith.constant 1 : index
      %swap3A_58 = memref.load %arg4[%swap3A_57] : memref<2xf32, #tpu.memory_space<smem>>
      memref.store %swap3A_56, %arg4[%swap3A_57] : memref<2xf32, #tpu.memory_space<smem>>
    } else {
    }
    %get3A = arith.constant 0 : index
    %get3A_2 = arith.constant 0 : index
    %get3A_3 = vector.load %arg1[%get3A, %get3A_2] : memref<80x10752xf32, #tpu.memory_space<vmem>>, vector<80x10752xf32>
    %get3A_4 = arith.constant 0 : index
    %get3A_5 = arith.constant 0 : index
    %get3A_6 = vector.load %arg2[%get3A_4, %get3A_5] : memref<80x10752xf32, #tpu.memory_space<vmem>>, vector<80x10752xf32>
    %abs3A = math.absf %get3A_3 : vector<80x10752xf32>
    %mul3A = arith.constant -1.44269502 : f32
    %mul3A_7 = vector.broadcast %mul3A : f32 to vector<80x10752xf32>
    %mul3A_8 = arith.mulf %abs3A, %mul3A_7 : vector<80x10752xf32>
    %exp23A = math.exp2 %mul3A_8 : vector<80x10752xf32>
    %add3A = arith.constant 1.000000e+00 : f32
    %add3A_9 = vector.broadcast %add3A : f32 to vector<80x10752xf32>
    %add3A_10 = arith.addf %add3A_9, %exp23A : vector<80x10752xf32>
    %div3A = arith.constant 1.000000e+00 : f32
    %div3A_11 = vector.broadcast %div3A : f32 to vector<80x10752xf32>
    %div3A_12 = arith.divf %div3A_11, %add3A_10 : vector<80x10752xf32>
    %log3A = math.log %div3A_12 : vector<80x10752xf32>
    %sub3A = arith.constant 0.000000e+00 : f32
    %sub3A_13 = vector.broadcast %sub3A : f32 to vector<80x10752xf32>
    %sub3A_14 = arith.subf %sub3A_13, %log3A : vector<80x10752xf32>
    %mul3A_15 = arith.mulf %exp23A, %div3A_12 : vector<80x10752xf32>
    %add3A_16 = arith.addf %abs3A, %sub3A_14 : vector<80x10752xf32>
    %mul3A_17 = arith.mulf %div3A_12, %div3A_12 : vector<80x10752xf32>
    %mul3A_18 = arith.mulf %mul3A_17, %add3A_16 : vector<80x10752xf32>
    %mul3A_19 = arith.mulf %mul3A_15, %mul3A_15 : vector<80x10752xf32>
    %mul3A_20 = arith.mulf %mul3A_19, %sub3A_14 : vector<80x10752xf32>
    %gt3A = arith.constant 0.000000e+00 : f32
    %gt3A_21 = vector.broadcast %gt3A : f32 to vector<80x10752xf32>
    %gt3A_22 = arith.cmpf ogt, %get3A_6, %gt3A_21 : vector<80x10752xf32>
    %ge3A = arith.constant 0.000000e+00 : f32
    %ge3A_23 = vector.broadcast %ge3A : f32 to vector<80x10752xf32>
    %ge3A_24 = arith.cmpf oge, %get3A_3, %ge3A_23 : vector<80x10752xf32>
    %ne3A = arith.xori %ge3A_24, %gt3A_22 : vector<80x10752xi1>
    %select_n3A = arith.select %ne3A, %mul3A_18, %mul3A_20 : vector<80x10752xi1>, vector<80x10752xf32>
    %jit3A = arith.constant 2.500000e-01 : f32
    %jit3A_25 = arith.constant 7.500000e-01 : f32
    %broadcast_in_dim3A = vector.broadcast %jit3A : f32 to vector<80x10752xf32>
    %broadcast_in_dim3A_26 = vector.broadcast %jit3A_25 : f32 to vector<80x10752xf32>
    %select_n3A_27 = arith.select %gt3A_22, %broadcast_in_dim3A, %broadcast_in_dim3A_26 : vector<80x10752xi1>, vector<80x10752xf32>
    %mul3A_28 = arith.mulf %select_n3A_27, %select_n3A : vector<80x10752xf32>
    %get3A_29 = arith.constant 0 : index
    %get3A_30 = memref.load %arg4[%get3A_29] : memref<2xf32, #tpu.memory_space<smem>>
    %reduce_sum3A = vector.shape_cast %mul3A_28 : vector<80x10752xf32> to vector<1x80x10752xf32>
    %reduce_sum3A_31 = arith.constant dense<0.000000e+00> : vector<1xf32>
    %reduce_sum3A_32 = vector.multi_reduction <add>, %reduce_sum3A, %reduce_sum3A_31 [1, 2] : vector<1x80x10752xf32> to vector<1xf32>
    %reduce_sum3A_33 = vector.shape_cast %reduce_sum3A_32 : vector<1xf32> to vector<1x1x1xf32>
    %reduce_sum3A_34 = vector.extract %reduce_sum3A_33[0, 0, 0] : f32 from vector<1x1x1xf32>
    %add3A_35 = arith.addf %get3A_30, %reduce_sum3A_34 : f32
    %swap3A = arith.constant 0 : index
    %swap3A_36 = memref.load %arg4[%swap3A] : memref<2xf32, #tpu.memory_space<smem>>
    memref.store %add3A_35, %arg4[%swap3A] : memref<2xf32, #tpu.memory_space<smem>>
    %get3A_37 = arith.constant 1 : index
    %get3A_38 = memref.load %arg4[%get3A_37] : memref<2xf32, #tpu.memory_space<smem>>
    %reduce_max3A = arith.constant dense<0xFF800000> : vector<10752xf32>
    %reduce_max3A_39 = vector.multi_reduction <maximumf>, %get3A_6, %reduce_max3A [0] : vector<80x10752xf32> to vector<10752xf32>
    %reduce_sum3A_40 = vector.shape_cast %reduce_max3A_39 : vector<10752xf32> to vector<1x10752xf32>
    %reduce_sum3A_41 = arith.constant dense<0.000000e+00> : vector<1xf32>
    %reduce_sum3A_42 = vector.multi_reduction <add>, %reduce_sum3A_40, %reduce_sum3A_41 [1] : vector<1x10752xf32> to vector<1xf32>
    %reduce_sum3A_43 = vector.shape_cast %reduce_sum3A_42 : vector<1xf32> to vector<1x1xf32>
    %reduce_sum3A_44 = vector.extract %reduce_sum3A_43[0, 0] : f32 from vector<1x1xf32>
    %add3A_45 = arith.addf %get3A_38, %reduce_sum3A_44 : f32
    %swap3A_46 = arith.constant 1 : index
    %swap3A_47 = memref.load %arg4[%swap3A_46] : memref<2xf32, #tpu.memory_space<smem>>
    memref.store %add3A_45, %arg4[%swap3A_46] : memref<2xf32, #tpu.memory_space<smem>>
    %eq3A_48 = arith.constant 9 : i32
    %eq3A_49 = arith.cmpi eq, %arg0, %eq3A_48 : i32
    %convert_element_type3A_50 = arith.extui %eq3A_49 : i1 to i32
    %cond3A_51 = arith.constant 0 : i32
    %cond3A_52 = arith.cmpi ne, %convert_element_type3A_50, %cond3A_51 : i32
    scf.if %cond3A_52 {
      %get3A_53 = arith.constant 0 : index
      %get3A_54 = memref.load %arg4[%get3A_53] : memref<2xf32, #tpu.memory_space<smem>>
      %swap3A_55 = arith.constant 0 : index
      %swap3A_56 = arith.constant 0 : index
      %swap3A_57 = memref.load %arg3[%swap3A_55, %swap3A_56] : memref<1x2xf32, #tpu.memory_space<smem>>
      memref.store %get3A_54, %arg3[%swap3A_55, %swap3A_56] : memref<1x2xf32, #tpu.memory_space<smem>>
      %get3A_58 = arith.constant 1 : index
      %get3A_59 = memref.load %arg4[%get3A_58] : memref<2xf32, #tpu.memory_space<smem>>
      %swap3A_60 = arith.constant 0 : index
      %swap3A_61 = arith.constant 1 : index
      %swap3A_62 = memref.load %arg3[%swap3A_60, %swap3A_61] : memref<1x2xf32, #tpu.memory_space<smem>>
      memref.store %get3A_59, %arg3[%swap3A_60, %swap3A_61] : memref<1x2xf32, #tpu.memory_space<smem>>
    } else {
    }
    return
  }
  func.func @transform_0(%arg0: i32) -> (i32, i32) {
    %c0_i32 = arith.constant 0 : i32
    %c0_i32_0 = arith.constant 0 : i32
    return %c0_i32, %arg0 : i32, i32
  }
  func.func @transform_1(%arg0: i32) -> (i32, i32) {
    %c0_i32 = arith.constant 0 : i32
    %c0_i32_0 = arith.constant 0 : i32
    return %c0_i32, %arg0 : i32, i32
  }
  func.func @transform_2(%arg0: i32) -> (i32, i32) {
    %c0_i32 = arith.constant 0 : i32
    %c0_i32_0 = arith.constant 0 : i32
    %c0_i32_1 = arith.constant 0 : i32
    return %c0_i32, %c0_i32_0 : i32, i32
  }
}

</mosaic_0001>

<sc_bundles>
// kernel: kernel.4.cloned.1.call-start
scs
__scs_entry_jumppad:
0x0: {  	(pc) =	sbr.rel $0x88, $3  }
0x1: {  	(tag) =	ssettag $0x0;
	lr =	simm.s32 $0x1  }
0x2: {  	[smem:$0x3F9F] =	sst lr;
	_ =	strace $0xD0000000  }
0x3: {  	_ = 	snop  }
0x4: {  	_ = 	snop  }
0x5: {  	_ = 	snop  }
0x6: {  	_ = 	snop  }
0x7: {  	_ = 	snop  }
__scs_overlays_trampoline_lowered:
0x8: {  	[smem:$0x3FAE] =	sst s0  }
0x9: {  	[smem:$0x3FAF] =	sst s1  }
0xa: {  	[smem:$0x3FB0] =	sst s2  }
0xb: {  	[smem:$0x3FB1] =	sst s3  }
0xc: {  	[smem:$0x3FB2] =	sst s4  }
0xd: {  	[smem:$0x3FB3] =	sst s5  }
0xe: {  	[smem:$0x3FB4] =	sst s6  }
0xf: {  	[smem:$0x3FB5] =	sst s7  }
0x10: {  	[smem:$0x3FB6] =	sst s8  }
0x11: {  	[smem:$0x3FB7] =	sst s9;
	s0 =	simm.s32 @!p0 $0x0  }
0x12: {  	s1 =	sld [smem:$0x3F9D];
	s0 =	simm.s32 @p0 $0x1  }
0x13: {  	[smem:$0x3FB8] =	sst s0;
	s0 =	simm.s32 @!p1 $0x0  }
0x14: {  	s2 =	sld [smem:$0x3F9C];
	s0 =	simm.s32 @p1 $0x1  }
0x15: {  	[smem:$0x3FB9] =	sst s0;
	s0 =	simm.s32 @!p2 $0x0  }
0x16: {  	s3 =	sld [smem:$0x3FDB];
	s0 =	simm.s32 @p2 $0x1  }
0x17: {  	s4 =	simm.s32 $0x1BF5;
	[smem:$0x3FBB] =	sst s0  }
0x18: {  	s0 =	sld [smem:$0x3F9E];
	_ =	swait.ge [sflag:s4], $0x0  }
0x19: {  	s7 =	sld [smem:$0x3F9F]  }
0x1a: {  	s8 =	sadd.s32 $0xFFFFE003, lr  }
0x1b: {  	s9 =	sadd.s32 $0xFFFFFEF7, lr;
	s5 =	simm.s32 $0xFFFFFFFF;
	p2 =	slt.u32 s8, $0xFFFFF086  }
0x1c: {  	p1 =	slt.u32 s9, $0xF7A;
	s5 =	simm.s32 @!p2 $0x0  }
0x1d: {  	s5 =	simm.s32 @p1 $0x1;
	p0 =	seq.s32 s7, s2  }
0x1e: {  	s7 =	smul.u32 @!p0 $0xF7A, s2;
	p2 =	seq.s32 @!p0 s5, $0x0  }
0x1f: {  	s9 =	smul.u32 $0xF7A, s1;
	s8 =	simm.s32 @!p0 $0x1BF5;
	p2 =	por !p2, p0  }
0x20: {  	[sflag:s8] =	ssyncset.s32 @!p0 $0xFFFFF086;
	s6 =	sadd.s32 @!p0 s3, s7;
	s7 =	simm.s32 @!p0 $0x108  }
0x21: {  	s3 =	sadd.s32 s3, s9;
	s6 =	sadd.s32 @!p0 $0x88, s6;
	s7 =	simm.s32 @p2 $0x1082  }
0x22: {  	[simem:s7], [sflag:s8] =	dma.local @!p0 [hbm:s6], $0xF7A  }
0x23: {  	s9 =	sor.u32 $0xD0000000, s2;
	s6 =	simm.s32 $0x108;
	_ =	swait.ge @!p0 [sflag:s8], $0x0  }
0x24: {  	s3 =	sadd.s32 $0x88, s3;
	s6 =	simm.s32 @!p1 $0x1082;
	[sflag:s4] =	ssyncset.s32 $0xFFFFF086  }
0x25: {  	[simem:s6], [sflag:s4] =	dma.local [hbm:s3], $0xF7A  }
0x26: {  	[smem:$0x3F9F] =	sst s1;
	(tag) =	ssettag s2;
	_ =	strace s9  }
0x27: {  	s1 =	sld [smem:$0x3FAF]  }
0x28: {  	s2 =	sld [smem:$0x3FB0]  }
0x29: {  	s4 =	sld [smem:$0x3FB2]  }
0x2a: {  	p0 =	seq.s32 s5, $0x0;
	s5 =	sld [smem:$0x3FB3]  }
0x2b: {  	s6 =	sld [smem:$0x3FB4]  }
0x2c: {  	s7 =	sld [smem:$0x3FB5]  }
0x2d: {  	s3 =	simm.s32 $0x108;
	s8 =	sld [smem:$0x3FB6]  }
0x2e: {  	s3 =	simm.s32 @!p0 $0x1082;
	s9 =	sld [smem:$0x3FB7]  }
0x2f: {  	lr =	sadd.s32 s0, s3;
	s0 =	sld [smem:$0x3FAE]  }
0x30: {  	s3 =	sld [smem:$0x3FB1]  }
0x31: {  	[smem:$0x3FBA] =	sst s10  }
0x32: {  	s10 =	sld [smem:$0x3FB8];
	_ =	sdelay $0x3  }
0x33: {  	p0 =	seq.s32 s10, $0x1;
	s10 =	sld [smem:$0x3FBA];
	_ =	sdelay $0x3  }
0x34: {  	[smem:$0x3FBA] =	sst s10  }
0x35: {  	s10 =	sld [smem:$0x3FB9];
	_ =	sdelay $0x3  }
0x36: {  	p1 =	seq.s32 s10, $0x1;
	s10 =	sld [smem:$0x3FBA];
	_ =	sdelay $0x3  }
0x37: {  	[smem:$0x3FBA] =	sst s10  }
0x38: {  	s10 =	sld [smem:$0x3FBB]  }
0x39: {  	_ = 	snop;
	(pc) =	sbr.ind lr, $3  }
0x3a: {  	_ = 	snop  }
0x3b: {  	_ = 	snop  }
0x3c: {  	p2 =	seq.s32 s10, $0x1;
	s10 =	sld [smem:$0x3FBA]  }
0x3d: {  	_ =	shalt  }
0x3e: {  	_ =	shalt  }
0x3f: {  	_ =	shalt  }
0x40: {  	_ =	shalt  }
0x41: {  	_ =	shalt  }
0x42: {  	_ =	shalt  }
0x43: {  	_ =	shalt  }
0x44: {  	_ =	shalt  }
0x45: {  	_ =	shalt  }
0x46: {  	_ =	shalt  }
0x47: {  	_ =	shalt  }
0x48: {  	_ =	shalt  }
0x49: {  	_ =	shalt  }
0x4a: {  	_ =	shalt  }
0x4b: {  	_ =	shalt  }
0x4c: {  	_ =	shalt  }
0x4d: {  	_ =	shalt  }
0x4e: {  	_ =	shalt  }
0x4f: {  	_ =	shalt  }
0x50: {  	_ =	shalt  }
0x51: {  	_ =	shalt  }
0x52: {  	_ =	shalt  }
0x53: {  	_ =	shalt  }
0x54: {  	_ =	shalt  }
0x55: {  	_ =	shalt  }
0x56: {  	_ =	shalt  }
0x57: {  	_ =	shalt  }
0x58: {  	_ =	shalt  }
0x59: {  	_ =	shalt  }
0x5a: {  	_ =	shalt  }
0x5b: {  	_ =	shalt  }
0x5c: {  	_ =	shalt  }
0x5d: {  	_ =	shalt  }
0x5e: {  	_ =	shalt  }
0x5f: {  	_ =	shalt  }
0x60: {  	_ =	shalt  }
0x61: {  	_ =	shalt  }
0x62: {  	_ =	shalt  }
0x63: {  	_ =	shalt  }
0x64: {  	_ =	shalt  }
0x65: {  	_ =	shalt  }
0x66: {  	_ =	shalt  }
0x67: {  	_ =	shalt  }
0x68: {  	_ =	shalt  }
0x69: {  	_ =	shalt  }
0x6a: {  	_ =	shalt  }
0x6b: {  	_ =	shalt  }
0x6c: {  	_ =	shalt  }
0x6d: {  	_ =	shalt  }
0x6e: {  	_ =	shalt  }
0x6f: {  	_ =	shalt  }
0x70: {  	_ =	shalt  }
0x71: {  	_ =	shalt  }
0x72: {  	_ =	shalt  }
0x73: {  	_ =	shalt  }
0x74: {  	_ =	shalt  }
0x75: {  	_ =	shalt  }
0x76: {  	_ =	shalt  }
0x77: {  	_ =	shalt  }
0x78: {  	_ =	shalt  }
0x79: {  	_ =	shalt  }
0x7a: {  	_ =	shalt  }
0x7b: {  	_ =	shalt  }
0x7c: {  	_ =	shalt  }
0x7d: {  	_ =	shalt  }
0x7e: {  	_ =	shalt  }
0x7f: {  	_ =	shalt  }
0x80: {  	_ =	shalt  }
0x81: {  	_ =	shalt  }
0x82: {  	_ =	shalt  }
0x83: {  	_ =	shalt  }
0x84: {  	_ =	shalt  }
0x85: {  	_ =	shalt  }
0x86: {  	_ =	shalt  }
0x87: {  	_ =	shalt  }
.Lfunc_end0:
.L_simem_size_0:
called_computation_lowered:
.L_overlay_start_0:
0x88: {  	s2 =	sld [smem:$0x3FD9]  }
0x89: {  	s3 =	sld [smem:$0x3FFE];
	_ =	sdelay $0x1  }
0x8a: {  	s1 =	srdreg.scid  }
0x8b: {  	s0 =	sand.u32 $0x1, s1  }
0x8c: {  	s17 =	sshll.u32 s0, $0xA;
	s2 =	sadd.s32 s3, s2  }
0x8d: {  	s2 =	sadd.s32 s2, s17  }
0x8e: {  	[smem:$0x3FC6] =	sst s2  }
0x8f: {  	_ = 	snop  }
0x90: {  	s2 =	sld [smem:$0x3FC9]  }
0x91: {  	s18 =	sld [smem:$0x3FC8];
	(tm) =	ssettm $0x1  }
0x92: {  	s4 =	sld [smem:$0x3FFB];
	_ =	sdelay $0x3  }
0x93: {  	_ =	strace s4  }
0x94: {  	s4 =	sld [smem:$0x3FFC];
	_ =	sdelay $0x3  }
0x95: {  	_ =	strace s4  }
0x96: {  	s4 =	sld [smem:$0x3FFD];
	_ =	sdelay $0x3  }
0x97: {  	_ =	strace s4  }
0x98: {  	_ =	strace $0x8FFFFFFF  }
0x99: {  	s19 =	sld [smem:$0x3FDB];
	_ =	sdelay $0x1  }
0x9a: {  	s5 =	simm.s32 $_scs_section_size  }
0x9b: {  	s6 =	simm.s32 $_size__tile_overlayer_lowered;
	s7 =	simm.s32 $_tile_overlayer_lowered  }
0x9c: {  	s22 =	simm.s32 $0x1BFF;
	s21 =	sshll.u32 s7, $0x1;
	s4 =	sadd.s32 s5, s19  }
0x9d: {  	s8 =	simm.s32 $0x0;
	s20 =	sshll.u32 s6, $0x1;
	s6 =	sadd.s32 s21, s4  }
0x9e: {  	[timem:s8], [sflag:s22] =	dma.local [hbm:s6], s20  }
0x9f: {  	_ =	swait.ge [sflag:s22], s20  }
0xa0: {  	s5 =	ssub.s32 $0x0, s20;
	[sflag:s22] =	ssyncset.done $0x0  }
0xa1: {  	[sflag:s22] =	ssyncadd.s32 s5;
	_ =	sdelay $0x1  }
0xa2: {  	s23 =	simm.s32 $0x1B8B  }
0xa3: {  	_ =	swait.ge [sflag:s23], $0x1  }
0xa4: {  	[sflag:s23] =	ssyncset.done $0x0  }
0xa5: {  	s25 =	simm.s32 $0x1B8E;
	s24 =	sld [smem:$0x3FFE];
	[sflag:s23] =	ssyncadd.s32 $0xFFFFFFFF  }
0xa6: {  	s26 =	simm.s32 $execute0_lowered;
	[smem:$0x3FD2] =	sst s25  }
0xa7: {  	s6 =	sshll.u32 s26, $0x1;
	_ =	strace $0x80000046;
	[dreg:$0x1] =	wrdreg $0xFFFFFFFF  }
0xa8: {  	s28 =	simm.s32 $_size_execute0_lowered;
	s4 =	sadd.s32 s4, s6;
	[dreg:$0x0] =	wrdreg $0x0  }
0xa9: {  	s6 =	sshll.u32 s28, $0x1;
	[dreg:$0x2] =	wrdreg s4  }
0xaa: {  	[dreg:$0x3] =	wrdreg s6  }
0xab: {  	[dreg:$0x4] =	wrdreg $0xC0  }
0xac: {  	_ =	task [dreg:s8], $0x5FFFF  }
0xad: {  	[dreg:$0x1] =	wrdreg $0xFFFFFFFF  }
0xae: {  	[dreg:$0x0] =	wrdreg $0x60  }
0xaf: {  	[dreg:$0x2] =	wrdreg s2  }
0xb0: {  	[dreg:$0x3] =	wrdreg s18  }
0xb1: {  	[dreg:$0x4] =	wrdreg s24  }
0xb2: {  	[dreg:$0x5] =	wrdreg $0x9  }
0xb3: {  	_ =	task.clear_ibuf [dreg:s8], $0x6FFFF;
	_ =	strace $0x90000046  }
0xb4: {  	s29 =	simm.s32 $0x9;
	_ =	strace $0x80000048  }
0xb5: {  	_ =	swait.ge [sflag:s29], $0x1  }
0xb6: {  	[sflag:s29] =	ssyncadd.s32 $0xFFFFFFFF  }
0xb7: {  	_ =	strace $0x90000048  }
0xb8: {  	_ =	sfence  }
0xb9: {  	s30 =	sld [smem:$0x0];
	_ =	sdelay $0x2  }
0xba: {  	s31 =	sshll.u32 s1, $0xD;
	s1 =	sshrl.u32 s1, $0x2  }
0xbb: {  	s3 =	sand.u32 $0x4000, s31;
	s1 =	sadd.s32 s1, s30  }
0xbc: {  	s0 =	sor.u32 s3, s0;
	s1 =	sshll.u32 s1, $0x11  }
0xbd: {  	s0 =	sor.u32 s1, s0  }
0xbe: {  	s0 =	sadd.s32 $0x8F2B, s0  }
0xbf: {  	[sflag:s0] =	ssyncadd.remote.s32 $0x1  }
0xc0: {  	_ =	sfence.sel $0xFFFF  }
0xc1: {  	[dreg:$0x0] =	wrdreg $0xFFFFFFFF;
	(pc) =	sbr.abs _section_cstart, $3  }
0xc2: {  	[dreg:$0x1] =	wrdreg $0xFFFFFFFF  }
0xc3: {  	_ =	task.clear_ibuf [dreg:s8], $0x2FFFF;
	_ =	strace $0x9FFFFFFF  }
0xc4: {  	(tm) =	ssettm $0x7FFFFFFF  }
0xc5: {  	_ =	shalt  }
tec
execute0_lowered:
.L_overlay_start_1:
0x0: {  	(tag) =	ssettag $0x1  }
0x1: {  	s1 =	rddreg [dreg:$0x0]  }
0x2: {  	s3 =	rddreg [dreg:$0x1]  }
0x3: {  	s7 =	rddreg [dreg:$0x2]  }
0x4: {  	s0 =	rddreg [dreg:$0x3]  }
0x5: {  	s5 =	srdreg.scid;
	s2 =	stileid.u32  }
0x6: {  	s4 =	simm.s32 $0x0;
	s11 =	simm.s32 $0x106800;
	s12 =	simm.s32 $0x2800  }
0x7: {  	s13 =	simm.s32 $0x1;
	s14 =	simm.s32 $0x80;
	s15 =	simm.s32 $0x2  }
0x8: {  	s16 =	simm.s32 $0x0;
	s5 =	sand.u32 $0x1, s5;
	s6 =	sshll.u32 s2, $0x1  }
0x9: {  	[smem:$0x7FF] =	sst s4;
	p0 =	slt.u32 s2, $0x9;
	s8 =	ssub.s32 $0x2, s5  }
0xa: {  	s6 =	sor.u32 s5, s6;
	_ =	strace $0x80000047;
	s5 =	simm.s32 $0x7  }
0xb: {  	s29 =	sshrl.u32 s8, $0x1;
	s9 =	smul.u32 $0x6, s6;
	s30 =	smin.u32 s6, $0x12  }
0xc: {  	s31 =	sshll.u32 s6, $0x4;
	s5 =	simm.s32 @!p0 $0x6;
	s10 =	ssub.s32 s8, s29  }
0xd: {  	s7 =	sadd.s32 s7, s31;
	s8 =	sadd.s32 s9, s30;
	s9 =	smax.u32 s10, $0x1  }
0xe: {  	v0 =	vimm.f32 $7.500000000e-01;
	s10 =	simm.s32 $0x400;
	s6 =	sadd.s32 $0x348, s8;
	s8 =	sadd.s32 $0x200, s7  }
.LBB2_1:
0xf: {  	v1 =	vimm.f32 $0.0e+00;
	v6 =	vimm.f32 $0.0e+00;
	s17 =	simm.s32 $0x0  }
.LBB2_2:
0x10: {  	s18 =	sadd.s32 s17, s6  }
0x11: {  	s18 =	sshll.u32 s18, $0x7  }
0x12: {  	s19 =	sand.u32 $0x1FFFFF80, s18  }
0x13: {  	s18 =	simm.s32 $0x0;
	s20 =	sadd.s32 s1, s19  }
0x14: {  	[tilespmem:s18], [sflag:$0x1] =	stream.strided.gather [hbm4b:s20+s10], $0x2800, s11, s10, $0x38;
	[tilespmem:$0x5000] =	vst v63  }
0x15: {  	s19 =	sadd.s32 s3, s19  }
0x16: {  	[tilespmem:s12], [sflag:$0x1] =	stream.strided.gather [hbm4b:s19+s10], $0x2800, s11, s10, $0x38;
	[tilespmem:$0x5000] =	vst v63  }
0x17: {  	_ =	swait.ge [sflag:s13], $0x2800  }
0x18: {  	[sflag:s13] =	ssyncset.done $0x0  }
0x19: {  	[sflag:s13] =	ssyncadd.s32 $0xFFFFD800  }
0x1a: {  	_ =	swait.ge [sflag:s13], $0x2800  }
0x1b: {  	[sflag:s13] =	ssyncset.done $0x0  }
0x1c: {  	s20 =	simm.s32 $0x0;
	s19 =	simm.s32 $0x2A00;
	[sflag:s13] =	ssyncadd.s32 $0xFFFFD800  }
.LBB2_3:
0x1d: {  	v2 =	vmov s18;
	_ =	sdelay $0x3  }
0x1e: {  	s21 =	simm.s32 $0x0  }
0x1f: {  	v7 =	vld.idx.msk [tilespmem:v2+s21+$0x380 ss:$0x1], $0xffff  }
0x20: {  	v8 =	vld.idx.msk [tilespmem:v2+s21+$0x280 ss:$0x1], $0xffff  }
0x21: {  	v9 =	vld.idx.msk [tilespmem:v2+s21+$0x180 ss:$0x1], $0xffff  }
0x22: {  	v10 =	vld.idx.msk [tilespmem:v2+s21+$0x100 ss:$0x1], $0xffff  }
0x23: {  	v13 =	vld.idx.msk [tilespmem:v2+s21+$0x0 ss:$0x1], $0xffff  }
0x24: {  	v14 =	vld.idx.msk [tilespmem:v2+s21+$0x300 ss:$0x1], $0xffff  }
0x25: {  	v17 =	vld.idx.msk [tilespmem:v2+s21+$0x80 ss:$0x1], $0xffff;
	_ =	sdelay $0x2  }
0x26: {  	v4 =	vmov s19;
	v3 =	vand.u32 $0x7FFFFFFF, v7;
	v20 =	vand.u32 $0x7FFFFFFF, v9  }
0x27: {  	v21 =	vand.u32 $0x7FFFFFFF, v10;
	v11 =	vand.u32 $0x7FFFFFFF, v8;
	v12 =	vand.u32 $0x7FFFFFFF, v13  }
0x28: {  	v5 =	vand.u32 $0x7FFFFFFF, v14;
	v16 =	vand.u32 $0x7FFFFFFF, v17;
	v15 =	vsub.f32 $0.0e+00, v20  }
0x29: {  	v18 =	vld.idx.msk [tilespmem:v2+s21+$0x200 ss:$0x1], $0xffff;
	vm7 =	vge.f32 v10, $0.0e+00;
	vm5 =	vge.f32 v9, $0.0e+00;
	v22 =	vsub.f32 $0.0e+00, v21  }
0x2a: {  	vm4 =	vge.f32 v17, $0.0e+00;
	vm3 =	vge.f32 v8, $0.0e+00;
	v15 =	vmul.f32 $1.442695020e+00, v15  }
0x2b: {  	v30 =	vld.idx.msk [tilespmem:v4+s21+$0x0 ss:$0x1], $0xffff;
	v19 =	vsub.f32 $0.0e+00, v3;
	v23 =	vsub.f32 $0.0e+00, v12;
	v22 =	vmul.f32 $1.442695020e+00, v22  }
0x2c: {  	v24 =	vsub.f32 $0.0e+00, v11;
	v27 =	vsub.f32 $0.0e+00, v16;
	(erf) = vpow2.f32 v15  }
0x2d: {  	v25 =	vld.idx.msk [tilespmem:v4+s21+$0xFFFFFE00 ss:$0x1], $0xffff;
	v29 =	vsub.f32 $0.0e+00, v5;
	v26 =	vmul.f32 $1.442695020e+00, v23;
	(erf) = vpow2.f32 v22  }
0x2e: {  	v28 =	vld.idx.msk [tilespmem:v4+s21+$0xFFFFFE80 ss:$0x1], $0xffff;
	v24 =	vmul.f32 $1.442695020e+00, v24;
	v27 =	vmul.f32 $1.442695020e+00, v27;
	v15 =	vand.u32 $0x7FFFFFFF, v18  }
0x2f: {  	v23 =	vld.idx.msk [tilespmem:v4+s21+$0xFFFFFF00 ss:$0x1], $0xffff;
	v19 =	vmul.f32 $1.442695020e+00, v19;
	(erf) = vpow2.f32 v26;
	v26 =	vsub.f32 $0.0e+00, v15  }
0x30: {  	vm6 =	vgt.f32 v30, $0.0e+00;
	v29 =	vmul.f32 $1.442695020e+00, v29;
	v22 =	vld.idx.msk [tilespmem:v4+s21+$0xFFFFFF80 ss:$0x1], $0xffff;
	(erf) = vpow2.f32 v24  }
0x31: {  	v17 =	vld.idx.msk [tilespmem:v4+s21+$0x180 ss:$0x1], $0xffff;
	v24 =	vimm.f32 $0.0e+00;
	(erf) = vpow2.f32 v27;
	v26 =	vmul.f32 $1.442695020e+00, v26  }
0x32: {  	vm1 =	vge.f32 v7, $0.0e+00;
	v27 =	vld.idx.msk [tilespmem:v4+s21+$0x80 ss:$0x1], $0xffff;
	v24 =	vmax.f32 v24, v25;
	(erf) = vpow2.f32 v19  }
0x33: {  	v10 =	vld.idx.msk [tilespmem:v4+s21+$0x100 ss:$0x1], $0xffff;
	vm9 =	vge.f32 v14, $0.0e+00;
	v19 =	vmax.f32 v24, v28;
	(erf) = vpow2.f32 v29  }
0x34: {  	vm10 =	vgt.f32 v25, $0.0e+00;
	vm11 =	vgt.f32 v28, $0.0e+00;
	v9 =	vmax.f32 v19, v23  }
0x35: {  	vm4 =	vmxor vm4, vm11;
	(erf) = vpow2.f32 v26;
	v9 =	vmax.f32 v9, v22;
	v26 =	vpop (erf)  }
0x36: {  	vm0 =	vgt.f32 v17, $0.0e+00;
	v8 =	vmax.f32 v9, v30;
	v7 =	vadd.f32 $2.000000000e+00, v26;
	v19 =	vpop (erf)  }
0x37: {  	vm8 =	vgt.f32 v27, $0.0e+00;
	v8 =	vmax.f32 v8, v27;
	v27 =	vadd.f32 $2.000000000e+00, v19  }
0x38: {  	vm2 =	vgt.f32 v10, $0.0e+00;
	vm1 =	vmxor vm1, vm0;
	v24 =	vpop (erf);
	(erf) = vrcp.f32 v7  }
0x39: {  	vm12 =	vgt.f32 v23, $0.0e+00;
	v9 =	vadd.f32 $1.000000000e+00, v19;
	v31 =	vpop (erf);
	(erf) = vrcp.f32 v27  }
0x3a: {  	vm7 =	vmxor vm7, vm12;
	v8 =	vmax.f32 v8, v10;
	v32 =	vadd.f32 $1.000000000e+00, v31;
	v34 =	vpop (erf)  }
0x3b: {  	v10 =	vsel vm6, $0x3E800000, v0;
	v33 =	vadd.f32 $2.000000000e+00, v31;
	(erf) = vrcp.f32 v9;
	v35 =	vpop (erf)  }
0x3c: {  	vm3 =	vmxor vm3, vm8;
	v30 =	vadd.f32 $2.000000000e+00, v24;
	(erf) = vrcp.f32 v32;
	v54 =	vpop (erf)  }
0x3d: {  	v7 =	vmax.f32 v8, v17;
	v8 =	vadd.f32 $2.000000000e+00, v54;
	(erf) = vrcp.f32 v33  }
0x3e: {  	v29 =	vadd.f32 $1.000000000e+00, v24;
	v27 =	vadd.f32 $2.000000000e+00, v34;
	v39 =	vpop (erf);
	(erf) = vrcp.f32 v30  }
0x3f: {  	v36 =	vadd.f32 $1.000000000e+00, v35;
	v9 =	vadd.f32 $1.000000000e+00, v39;
	(erf) = vrcp.f32 v8  }
0x40: {  	v37 =	vadd.f32 $2.000000000e+00, v35;
	v38 =	vadd.f32 $1.000000000e+00, v54;
	(erf) = vrcp.f32 v27  }
0x41: {  	v55 =	vadd.f32 $2.000000000e+00, v39;
	v30 =	vadd.f32 $1.000000000e+00, v34;
	(erf) = vrcp.f32 v9;
	v14 =	vpop (erf)  }
0x42: {  	v9 =	vsel vm2, $0x3E800000, v0;
	(erf) = vrcp.f32 v29;
	v27 =	vmul.f32 v14, v26;
	v14 =	vpop (erf)  }
0x43: {  	vm2 =	vmxor vm9, vm2;
	(erf) = vrcp.f32 v55;
	v29 =	vmul.f32 v14, v19  }
0x44: {  	vm9 =	vge.f32 v18, $0.0e+00;
	(erf) = vrcp.f32 v38;
	v17 =	vpop (erf);
	v18 =	vmul.f32 v27, v27  }
0x45: {  	v8 =	vsel vm8, $0x3E800000, v0;
	(erf) = vrcp.f32 v36;
	v41 =	vmul.f32 v17, v17  }
0x46: {  	vm8 =	vge.f32 v13, $0.0e+00;
	v56 =	vpop (erf);
	v45 =	vmul.f32 v17, v19;
	v57 =	vmul.f32 v29, v29  }
0x47: {  	vm8 =	vmxor vm8, vm10;
	(erf) = vrcp.f32 v37;
	v59 =	vmul.f32 v56, v31  }
0x48: {  	v14 =	vadd.f32 $1.000000000e+00, v26;
	v58 =	vpop (erf);
	v17 =	vmul.f32 v56, v56;
	v13 =	vmul.f32 $1.428571490e-01, v18  }
0x49: {  	vm6 =	vmxor vm9, vm6;
	(erf) = vrcp.f32 v30;
	v31 =	vmul.f32 v58, v31  }
0x4a: {  	v27 =	vadd.f32 v27, v27;
	v30 =	vpop (erf);
	v56 =	vmul.f32 v45, v45;
	v25 =	vmul.f32 $1.428571490e-01, v57  }
0x4b: {  	v29 =	vadd.f32 v29, v29;
	v40 =	vpop (erf);
	v30 =	vmul.f32 v30, v24;
	(erf) = vrcp.f32 v14  }
0x4c: {  	v38 =	vmul.f32 v59, v59;
	v13 =	vadd.f32 $2.000000030e-01, v13;
	v14 =	vpop (erf);
	v36 =	vmul.f32 v31, v31  }
0x4d: {  	v40 =	vmul.f32 v40, v54;
	v25 =	vadd.f32 $2.000000030e-01, v25;
	v42 =	vpop (erf);
	v43 =	vmul.f32 v14, v34  }
0x4e: {  	v31 =	vadd.f32 v31, v31;
	v13 =	vmul.f32 v13, v18;
	v19 =	vmul.f32 v42, v42  }
0x4f: {  	v14 =	vsel vm11, $0x3E800000, v0;
	v28 =	vpop (erf);
	v49 =	vmul.f32 $1.428571490e-01, v36;
	v25 =	vmul.f32 v25, v57  }
0x50: {  	v44 =	vpop (erf);
	v46 =	vmul.f32 v43, v43;
	v24 =	vmul.f32 v28, v24;
	v13 =	vadd.f32 $3.333333430e-01, v13  }
0x51: {  	vm11 =	vgt.f32 v22, $0.0e+00;
	v60 =	vmul.f32 v44, v39;
	v44 =	vmul.f32 v30, v30  }
0x52: {  	v28 =	vmul.f32 v28, v28;
	v61 =	vpop (erf);
	v25 =	vadd.f32 $3.333333430e-01, v25;
	v18 =	vmul.f32 v13, v18  }
0x53: {  	vm5 =	vmxor vm5, vm11;
	v22 =	vmul.f32 v61, v54;
	v58 =	vmul.f32 $1.428571490e-01, v44  }
0x54: {  	v25 =	vmul.f32 v25, v57;
	v57 =	vmul.f32 v60, v60;
	v13 =	vpop (erf);
	v47 =	vadd.f32 $1.000000000e+00, v18  }
0x55: {  	v51 =	vmul.f32 $1.428571490e-01, v46;
	v45 =	vadd.f32 $2.000000030e-01, v58;
	v18 =	vmul.f32 v13, v35  }
0x56: {  	v48 =	vpop (erf);
	v25 =	vadd.f32 $1.000000000e+00, v25;
	v52 =	vmul.f32 $1.428571490e-01, v57;
	v27 =	vmul.f32 v47, v27  }
0x57: {  	v43 =	vadd.f32 v43, v43;
	v35 =	vmul.f32 v48, v35;
	v45 =	vmul.f32 v45, v44  }
0x58: {  	v30 =	vadd.f32 v30, v30;
	v50 =	vpop (erf);
	v25 =	vmul.f32 v25, v29;
	v29 =	vmul.f32 v42, v39  }
0x59: {  	v62 =	vpop (erf);
	v34 =	vmul.f32 v50, v34;
	v59 =	vadd.f32 $2.000000030e-01, v52;
	v55 =	vmul.f32 v50, v50  }
0x5a: {  	v26 =	vmul.f32 v62, v26;
	v39 =	vadd.f32 v27, v20;
	v20 =	vmul.f32 v61, v61  }
0x5b: {  	v37 =	vadd.f32 v60, v60;
	v42 =	vmul.f32 v35, v35;
	v47 =	vmul.f32 v62, v62  }
0x5c: {  	v63 =	vadd.f32 v25, v21;
	v25 =	vmul.f32 v25, v56;
	v32 =	vmul.f32 v59, v57  }
0x5d: {  	v61 =	vadd.f32 $2.000000030e-01, v49;
	v34 =	vmul.f32 v34, v34;
	v54 =	vmul.f32 v29, v29  }
0x5e: {  	v60 =	vadd.f32 $2.000000030e-01, v51;
	v56 =	vmul.f32 v24, v24;
	v26 =	vmul.f32 v26, v26  }
0x5f: {  	v58 =	vsel vm10, $0x3E800000, v0;
	v53 =	vmul.f32 $1.428571490e-01, v42;
	v48 =	vmul.f32 v61, v36  }
0x60: {  	v45 =	vadd.f32 $3.333333430e-01, v45;
	v23 =	vmul.f32 v27, v26;
	v26 =	vmul.f32 v63, v41  }
0x61: {  	v62 =	vadd.f32 $2.000000030e-01, v53;
	v41 =	vmul.f32 v60, v46;
	v59 =	vadd.f32 $3.333333430e-01, v48  }
0x62: {  	v25 =	vsel vm7, v26, v25;
	v26 =	vadd.f32 $3.333333430e-01, v32;
	v32 =	vmul.f32 v40, v40  }
0x63: {  	v49 =	vmul.f32 v62, v42;
	v41 =	vadd.f32 $3.333333430e-01, v41;
	v36 =	vmul.f32 v59, v36  }
0x64: {  	v35 =	vadd.f32 v35, v35;
	v26 =	vmul.f32 v26, v57;
	v63 =	vmul.f32 $1.428571490e-01, v32  }
0x65: {  	v29 =	vadd.f32 $3.333333430e-01, v49;
	v24 =	vmul.f32 v41, v46;
	v57 =	vmul.f32 v45, v44  }
0x66: {  	v27 =	vsel vm12, $0x3E800000, v0;
	v36 =	vadd.f32 $1.000000000e+00, v36;
	v33 =	vadd.f32 $2.000000030e-01, v63  }
0x67: {  	v46 =	vadd.f32 $1.000000000e+00, v24;
	v29 =	vmul.f32 v29, v42;
	v41 =	vadd.f32 $1.000000000e+00, v57  }
0x68: {  	v24 =	vmul.f32 v25, v27;
	v61 =	vadd.f32 $1.000000000e+00, v26;
	v26 =	vmul.f32 v39, v47  }
0x69: {  	v21 =	vsel vm11, $0x3E800000, v0;
	v25 =	vmul.f32 v33, v32;
	v30 =	vmul.f32 v41, v30  }
0x6a: {  	v63 =	vmul.f32 v36, v31;
	v60 =	vmul.f32 v46, v43;
	v29 =	vadd.f32 $1.000000000e+00, v29  }
0x6b: {  	v37 =	vmul.f32 v61, v37;
	v25 =	vadd.f32 $3.333333430e-01, v25;
	v12 =	vadd.f32 v30, v12  }
0x6c: {  	v62 =	vadd.f32 v60, v16;
	v16 =	vmul.f32 v29, v35;
	v30 =	vmul.f32 v30, v56  }
0x6d: {  	v27 =	vadd.f32 v40, v40;
	v25 =	vmul.f32 v25, v32;
	v12 =	vmul.f32 v12, v28  }
0x6e: {  	v15 =	vadd.f32 v37, v15;
	v29 =	vmul.f32 v60, v34;
	v31 =	vmul.f32 v62, v55  }
0x6f: {  	v28 =	vadd.f32 $1.000000000e+00, v25;
	v25 =	vsel vm8, v12, v30;
	v12 =	vmul.f32 v37, v54  }
0x70: {  	s21 =	simm.s32 $0x1000;
	v30 =	vadd.f32 v63, v11;
	v11 =	vmul.f32 v63, v38;
	v32 =	vmul.f32 v25, v58  }
.LBB2_4:
0x71: {  	s22 =	sshra.s32 s21, $0x2;
	p0 =	sne.s32 s21, $0x9000;
	s21 =	sadd.s32 $0x1000, s21;
	v25 =	vsel vm4, v31, v29;
	v15 =	vmul.f32 v15, v19;
	v19 =	vmul.f32 v28, v27  }
0x72: {  	v27 =	vld.idx.msk [tilespmem:v2+s22+$0x380 ss:$0x1], $0xffff;
	v6 =	vadd.f32 v32, v6;
	v14 =	vmul.f32 v25, v14;
	v25 =	vmul.f32 v30, v17  }
0x73: {  	v17 =	vld.idx.msk [tilespmem:v2+s22+$0x300 ss:$0x1], $0xffff;
	v12 =	vsel vm6, v15, v12;
	v5 =	vadd.f32 v19, v5;
	v15 =	vmul.f32 v22, v22  }
0x74: {  	v22 =	vsel vm5, v26, v23;
	v28 =	vld.idx.msk [tilespmem:v2+s22+$0x280 ss:$0x1], $0xffff;
	v6 =	vadd.f32 v14, v6;
	v11 =	vsel vm3, v25, v11  }
0x75: {  	v14 =	vld.idx.msk [tilespmem:v2+s22+$0x200 ss:$0x1], $0xffff;
	v5 =	vmul.f32 v5, v20;
	v15 =	vmul.f32 v19, v15;
	v19 =	vadd.f32 v16, v3  }
0x76: {  	v18 =	vmul.f32 v18, v18;
	v20 =	vmul.f32 v22, v21;
	v25 =	vld.idx.msk [tilespmem:v2+s22+$0x180 ss:$0x1], $0xffff;
	v6 =	vadd.f32 v24, v6  }
0x77: {  	v10 =	vmul.f32 v12, v10;
	v22 =	vld.idx.msk [tilespmem:v2+s22+$0x100 ss:$0x1], $0xffff;
	v5 =	vsel vm2, v5, v15;
	v15 =	vmul.f32 v13, v13  }
0x78: {  	v16 =	vmul.f32 v16, v18;
	v3 =	vand.u32 $0x7FFFFFFF, v27;
	v13 =	vld.idx.msk [tilespmem:v2+s22+$0x0 ss:$0x1], $0xffff;
	v6 =	vadd.f32 v20, v6  }
0x79: {  	v8 =	vmul.f32 v11, v8;
	v26 =	vsub.f32 $0.0e+00, v3;
	v9 =	vmul.f32 v5, v9;
	v24 =	vld.idx.msk [tilespmem:v2+s22+$0x80 ss:$0x1], $0xffff  }
0x7a: {  	v5 =	vand.u32 $0x7FFFFFFF, v17;
	v11 =	vand.u32 $0x7FFFFFFF, v28;
	v6 =	vadd.f32 v10, v6  }
0x7b: {  	v15 =	vmul.f32 v19, v15;
	v12 =	vand.u32 $0x7FFFFFFF, v14;
	v10 =	vsub.f32 $0.0e+00, v11  }
0x7c: {  	v20 =	vand.u32 $0x7FFFFFFF, v25;
	v29 =	vsub.f32 $0.0e+00, v12;
	v6 =	vadd.f32 v8, v6  }
0x7d: {  	v30 =	vsel vm1, v15, v16;
	v21 =	vand.u32 $0x7FFFFFFF, v22;
	v8 =	vsub.f32 $0.0e+00, v20  }
0x7e: {  	v15 =	vand.u32 $0x7FFFFFFF, v13;
	v18 =	vsub.f32 $0.0e+00, v21;
	v6 =	vadd.f32 v9, v6  }
0x7f: {  	v31 =	vsel vm0, $0x3E800000, v0;
	v9 =	vsub.f32 $0.0e+00, v15;
	v8 =	vmul.f32 $1.442695020e+00, v8  }
0x80: {  	v10 =	vmul.f32 $1.442695020e+00, v10;
	v16 =	vand.u32 $0x7FFFFFFF, v24;
	v32 =	vmul.f32 $1.442695020e+00, v18;
	v19 =	vld.idx.msk [tilespmem:v4+s22+$0xFFFFFE00 ss:$0x1], $0xffff  }
0x81: {  	v33 =	vsub.f32 $0.0e+00, v16;
	v9 =	vmul.f32 $1.442695020e+00, v9;
	v18 =	vld.idx.msk [tilespmem:v4+s22+$0xFFFFFE80 ss:$0x1], $0xffff;
	(erf) = vpow2.f32 v8  }
0x82: {  	v26 =	vmul.f32 $1.442695020e+00, v26;
	v8 =	vsub.f32 $0.0e+00, v5;
	v23 =	vld.idx.msk [tilespmem:v4+s22+$0xFFFFFF00 ss:$0x1], $0xffff;
	(erf) = vpow2.f32 v32  }
0x83: {  	vm6 =	vge.f32 v22, $0.0e+00;
	v32 =	vmul.f32 $1.442695020e+00, v33;
	v22 =	vld.idx.msk [tilespmem:v4+s22+$0xFFFFFF80 ss:$0x1], $0xffff;
	(erf) = vpow2.f32 v9  }
0x84: {  	vm5 =	vge.f32 v25, $0.0e+00;
	v8 =	vmul.f32 $1.442695020e+00, v8;
	v9 =	vld.idx.msk [tilespmem:v4+s22+$0x0 ss:$0x1], $0xffff;
	(erf) = vpow2.f32 v10  }
0x85: {  	vm4 =	vge.f32 v24, $0.0e+00;
	v10 =	vmul.f32 $1.442695020e+00, v29;
	v24 =	vld.idx.msk [tilespmem:v4+s22+$0x80 ss:$0x1], $0xffff;
	(erf) = vpow2.f32 v32  }
0x86: {  	v7 =	vmax.f32 v7, v19;
	v25 =	vld.idx.msk [tilespmem:v4+s22+$0x100 ss:$0x1], $0xffff;
	(erf) = vpow2.f32 v26;
	v26 =	vmul.f32 v30, v31  }
0x87: {  	v7 =	vmax.f32 v7, v18;
	(erf) = vpow2.f32 v8  }
0x88: {  	v7 =	vmax.f32 v7, v23;
	(erf) = vpow2.f32 v10;
	v6 =	vadd.f32 v26, v6  }
0x89: {  	vm3 =	vge.f32 v28, $0.0e+00;
	v7 =	vmax.f32 v7, v22;
	v10 =	vld.idx.msk [tilespmem:v4+s22+$0x180 ss:$0x1], $0xffff  }
0x8a: {  	vm1 =	vge.f32 v27, $0.0e+00;
	vm7 =	vgt.f32 v9, $0.0e+00;
	v7 =	vmax.f32 v7, v9;
	v26 =	vpop (erf)  }
0x8b: {  	vm8 =	vgt.f32 v24, $0.0e+00;
	v7 =	vmax.f32 v7, v24;
	v8 =	vadd.f32 $2.000000000e+00, v26;
	v29 =	vpop (erf)  }
0x8c: {  	v7 =	vmax.f32 v7, v25;
	v9 =	vadd.f32 $1.000000000e+00, v29;
	v28 =	vadd.f32 $2.000000000e+00, v29;
	v24 =	vpop (erf)  }
0x8d: {  	v30 =	vadd.f32 $1.000000000e+00, v24;
	v31 =	vadd.f32 $2.000000000e+00, v24;
	(erf) = vrcp.f32 v8;
	v32 =	vpop (erf)  }
0x8e: {  	v8 =	vadd.f32 $1.000000000e+00, v32;
	v33 =	vadd.f32 $2.000000000e+00, v32;
	v27 =	vpop (erf);
	(erf) = vrcp.f32 v28  }
0x8f: {  	v7 =	vmax.f32 v7, v10;
	v34 =	vadd.f32 $2.000000000e+00, v27;
	(erf) = vrcp.f32 v9;
	v35 =	vpop (erf)  }
0x90: {  	v36 =	vadd.f32 $1.000000000e+00, v35;
	v37 =	vadd.f32 $2.000000000e+00, v35;
	(erf) = vrcp.f32 v8;
	v28 =	vpop (erf)  }
0x91: {  	v38 =	vadd.f32 $1.000000000e+00, v28;
	v8 =	vadd.f32 $2.000000000e+00, v28;
	v39 =	vpop (erf);
	(erf) = vrcp.f32 v33  }
0x92: {  	v9 =	vadd.f32 $1.000000000e+00, v39;
	v33 =	vadd.f32 $2.000000000e+00, v39;
	(erf) = vrcp.f32 v31  }
0x93: {  	vm2 =	vgt.f32 v25, $0.0e+00;
	v31 =	vadd.f32 $1.000000000e+00, v27;
	(erf) = vrcp.f32 v8  }
0x94: {  	vm0 =	vgt.f32 v10, $0.0e+00;
	v8 =	vsel vm8, $0x3E800000, v0;
	(erf) = vrcp.f32 v34  }
0x95: {  	vm9 =	vge.f32 v17, $0.0e+00;
	vm1 =	vmxor vm1, vm0;
	(erf) = vrcp.f32 v9  }
0x96: {  	v10 =	vsel vm7, $0x3E800000, v0;
	v9 =	vsel vm2, $0x3E800000, v0;
	(erf) = vrcp.f32 v30;
	v17 =	vpop (erf)  }
0x97: {  	vm2 =	vmxor vm9, vm2;
	v30 =	vmul.f32 v17, v26;
	v17 =	vpop (erf);
	(erf) = vrcp.f32 v33  }
0x98: {  	vm9 =	vge.f32 v14, $0.0e+00;
	v33 =	vmul.f32 v17, v29;
	v17 =	vpop (erf);
	(erf) = vrcp.f32 v38  }
0x99: {  	vm3 =	vmxor vm3, vm8;
	v34 =	vmul.f32 v30, v30;
	v38 =	vpop (erf);
	(erf) = vrcp.f32 v36  }
0x9a: {  	v14 =	vadd.f32 $1.000000000e+00, v26;
	v36 =	vmul.f32 v33, v33;
	v40 =	vpop (erf);
	(erf) = vrcp.f32 v37  }
0x9b: {  	vm8 =	vge.f32 v13, $0.0e+00;
	v13 =	vmul.f32 $1.428571490e-01, v34;
	v25 =	vpop (erf);
	(erf) = vrcp.f32 v31  }
0x9c: {  	vm10 =	vgt.f32 v19, $0.0e+00;
	v45 =	vmul.f32 v38, v32;
	v19 =	vmul.f32 $1.428571490e-01, v36;
	v37 =	vpop (erf)  }
0x9d: {  	v41 =	vmul.f32 v25, v24;
	v13 =	vadd.f32 $2.000000030e-01, v13;
	v42 =	vpop (erf);
	(erf) = vrcp.f32 v14  }
0x9e: {  	vm8 =	vmxor vm8, vm10;
	v43 =	vmul.f32 v17, v17;
	v46 =	vadd.f32 $2.000000030e-01, v19;
	v44 =	vpop (erf)  }
0x9f: {  	vm11 =	vgt.f32 v18, $0.0e+00;
	v25 =	vmul.f32 v45, v45;
	v47 =	vmul.f32 v13, v34;
	v31 =	vpop (erf)  }
0xa0: {  	v14 =	vsel vm11, $0x3E800000, v0;
	v42 =	vmul.f32 v42, v27;
	v18 =	vmul.f32 v46, v36;
	v19 =	vpop (erf)  }
0xa1: {  	v29 =	vmul.f32 v17, v29;
	v32 =	vmul.f32 v40, v32;
	v47 =	vadd.f32 $3.333333430e-01, v47;
	v40 =	vpop (erf)  }
0xa2: {  	v17 =	vmul.f32 v38, v38;
	v46 =	vmul.f32 v19, v39;
	v18 =	vadd.f32 $3.333333430e-01, v18;
	v13 =	vpop (erf)  }
0xa3: {  	v30 =	vadd.f32 v30, v30;
	v19 =	vmul.f32 v44, v44;
	v34 =	vmul.f32 v47, v34;
	v38 =	vpop (erf)  }
0xa4: {  	v33 =	vadd.f32 v33, v33;
	v18 =	vmul.f32 v18, v36;
	v36 =	vmul.f32 v32, v32;
	v45 =	vpop (erf)  }
0xa5: {  	v48 =	vmul.f32 v42, v42;
	v47 =	vmul.f32 v41, v41;
	v34 =	vadd.f32 $1.000000000e+00, v34  }
0xa6: {  	v49 =	vadd.f32 $1.000000000e+00, v18;
	v50 =	vmul.f32 $1.428571490e-01, v36;
	v18 =	vmul.f32 v13, v35;
	v51 =	vpop (erf)  }
0xa7: {  	vm4 =	vmxor vm4, vm11;
	v30 =	vmul.f32 v34, v30;
	v34 =	vmul.f32 v38, v35  }
0xa8: {  	v32 =	vadd.f32 v32, v32;
	v35 =	vmul.f32 v44, v39;
	v33 =	vmul.f32 v49, v33  }
0xa9: {  	v26 =	vmul.f32 v51, v26;
	v38 =	vadd.f32 v30, v20;
	v20 =	vmul.f32 v40, v40  }
0xaa: {  	v27 =	vmul.f32 v45, v27;
	v39 =	vadd.f32 v41, v41;
	v41 =	vmul.f32 v34, v34  }
0xab: {  	v37 =	vmul.f32 v37, v28;
	v49 =	vmul.f32 v51, v51;
	v44 =	vadd.f32 v33, v21  }
0xac: {  	vm11 =	vgt.f32 v22, $0.0e+00;
	v22 =	vmul.f32 v40, v28;
	v26 =	vmul.f32 v26, v26  }
0xad: {  	v28 =	vmul.f32 v29, v29;
	v29 =	vmul.f32 v46, v46;
	v21 =	vsel vm11, $0x3E800000, v0  }
0xae: {  	vm12 =	vgt.f32 v23, $0.0e+00;
	v51 =	vmul.f32 $1.428571490e-01, v48;
	v40 =	vmul.f32 $1.428571490e-01, v47  }
0xaf: {  	v46 =	vadd.f32 v46, v46;
	v52 =	vmul.f32 $1.428571490e-01, v29;
	v53 =	vmul.f32 $1.428571490e-01, v41  }
0xb0: {  	v28 =	vmul.f32 v33, v28;
	v40 =	vadd.f32 $2.000000030e-01, v40;
	v23 =	vmul.f32 v30, v26  }
0xb1: {  	v33 =	vadd.f32 $2.000000030e-01, v52;
	v30 =	vsel vm12, $0x3E800000, v0;
	v26 =	vmul.f32 v44, v43  }
0xb2: {  	v24 =	vmul.f32 v31, v24;
	v43 =	vadd.f32 $2.000000030e-01, v51;
	v44 =	vadd.f32 $2.000000030e-01, v50  }
0xb3: {  	vm6 =	vmxor vm6, vm12;
	v33 =	vmul.f32 v33, v29;
	v40 =	vmul.f32 v40, v47  }
0xb4: {  	v42 =	vadd.f32 v42, v42;
	v50 =	vmul.f32 v27, v27;
	v27 =	vadd.f32 $2.000000030e-01, v53  }
0xb5: {  	v26 =	vsel vm6, v26, v28;
	v28 =	vadd.f32 $3.333333430e-01, v33;
	v33 =	vmul.f32 v37, v37  }
0xb6: {  	v43 =	vmul.f32 v43, v48;
	v40 =	vadd.f32 $3.333333430e-01, v40;
	v27 =	vmul.f32 v27, v41  }
0xb7: {  	vm5 =	vmxor vm5, vm11;
	v28 =	vmul.f32 v28, v29;
	v29 =	vmul.f32 $1.428571490e-01, v33  }
0xb8: {  	v35 =	vmul.f32 v35, v35;
	v43 =	vadd.f32 $3.333333430e-01, v43;
	v27 =	vadd.f32 $3.333333430e-01, v27  }
0xb9: {  	v45 =	vmul.f32 v45, v45;
	vm6 =	vmxor vm9, vm7;
	v44 =	vmul.f32 v44, v36  }
0xba: {  	v51 =	vmul.f32 v24, v24;
	v24 =	vmul.f32 v43, v48;
	v29 =	vadd.f32 $2.000000030e-01, v29  }
0xbb: {  	v44 =	vadd.f32 $3.333333430e-01, v44;
	v40 =	vmul.f32 v40, v47;
	v43 =	vsel vm10, $0x3E800000, v0  }
0xbc: {  	v34 =	vadd.f32 v34, v34;
	v27 =	vmul.f32 v27, v41;
	v47 =	vadd.f32 $1.000000000e+00, v24  }
0xbd: {  	v40 =	vadd.f32 $1.000000000e+00, v40;
	v24 =	vmul.f32 v26, v30;
	v26 =	vmul.f32 v29, v33  }
0xbe: {  	v29 =	vmul.f32 v31, v31;
	v31 =	vadd.f32 $1.000000000e+00, v27;
	v30 =	vmul.f32 v47, v42  }
0xbf: {  	v28 =	vadd.f32 $1.000000000e+00, v28;
	v39 =	vmul.f32 v40, v39;
	v40 =	vadd.f32 $3.333333430e-01, v26  }
0xc0: {  	v36 =	vmul.f32 v44, v36;
	v27 =	vadd.f32 v37, v37;
	v26 =	vmul.f32 v38, v49  }
0xc1: {  	v38 =	vmul.f32 v28, v46;
	v15 =	vadd.f32 v39, v15;
	v37 =	vadd.f32 v30, v16  }
.Ltmp0:
0xc2: {  	v28 =	vadd.f32 $1.000000000e+00, v36;
	v33 =	vmul.f32 v40, v33;
	v16 =	vmul.f32 v31, v34;
	(pc) =	sbr.rel @p0 .LBB2_4-.Ltmp0, $4  }
0xc3: {  	v34 =	vmul.f32 v39, v51;
	v31 =	vmul.f32 v15, v29;
	v15 =	vadd.f32 v38, v12  }
0xc4: {  	v36 =	vmul.f32 v28, v32;
	v29 =	vmul.f32 v30, v50;
	v28 =	vadd.f32 $1.000000000e+00, v33  }
0xc5: {  	v12 =	vmul.f32 v38, v35;
	v30 =	vsel vm8, v31, v34;
	v31 =	vmul.f32 v37, v45  }
0xc6: {  	v32 =	vmul.f32 v30, v43;
	v30 =	vadd.f32 v36, v11;
	v11 =	vmul.f32 v36, v25  }
0xc7: {  	v2 =	vsel vm4, v31, v29  }
0xc8: {  	v4 =	vadd.f32 v32, v6;
	v2 =	vmul.f32 v2, v14;
	_ =	sdelay $0x1  }
0xc9: {  	v59 =	vmul.f32 v15, v19;
	v60 =	vsel vm5, v26, v23;
	v2 =	vadd.f32 v2, v4  }
0xca: {  	v61 =	vmul.f32 v22, v22;
	v3 =	vadd.f32 v16, v3;
	v6 =	vmul.f32 v28, v27  }
0xcb: {  	v62 =	vmul.f32 v18, v18;
	v15 =	vmul.f32 v60, v21;
	v2 =	vadd.f32 v24, v2  }
0xcc: {  	v12 =	vsel vm6, v59, v12;
	v4 =	vmul.f32 v30, v17;
	v5 =	vadd.f32 v6, v5  }
0xcd: {  	v63 =	vmul.f32 v13, v13;
	v10 =	vmul.f32 v12, v10;
	v2 =	vadd.f32 v15, v2  }
0xce: {  	v6 =	vmul.f32 v6, v61;
	v4 =	vsel vm3, v4, v11;
	v5 =	vmul.f32 v5, v20  }
0xcf: {  	s20 =	sadd.s32 $0x1, s20;
	v4 =	vmul.f32 v4, v8;
	v2 =	vadd.f32 v10, v2  }
0xd0: {  	p0 =	sne.s32 s20, $0x8;
	v3 =	vmul.f32 v3, v63;
	v5 =	vsel vm2, v5, v6;
	v6 =	vmul.f32 v16, v62  }
.Ltmp1:
0xd1: {  	v5 =	vmul.f32 v5, v9;
	v2 =	vadd.f32 v4, v2;
	(pc) =	sbr.rel @p0 .LBB2_3-.Ltmp1, $3  }
0xd2: {  	v3 =	vsel vm1, v3, v6;
	v4 =	vsel vm0, $0x3E800000, v0  }
0xd3: {  	v3 =	vmul.f32 v3, v4;
	v2 =	vadd.f32 v5, v2;
	_ =	sdelay $0x1  }
0xd4: {  	s19 =	sadd.s32 $0x10, s19;
	s18 =	sadd.s32 $0x10, s18;
	v1 =	vadd.f32 v7, v1;
	v6 =	vadd.f32 v3, v2  }
0xd5: {  	s17 =	sadd.s32 $0x1, s17  }
0xd6: {  	p0 =	sne.s32 s17, s5  }
.Ltmp2:
0xd7: {  	_ = 	snop;
	(pc) =	sbr.rel @p0 .LBB2_2-.Ltmp2, $1  }
0xd8: {  	_ =	sdelay $0x3  }
0xd9: {  	[tilespmem:$0x0] =	vst v6  }
0xda: {  	[tilespmem:$0x2800] =	vst v1  }
0xdb: {  	[hbm4b:s8+s14] =	stream.strided.scatter [tilespmem:s4], [sflag:$0x2], $0x0, s10, s14, $0x38;
	[tilespmem:$0x5000] =	vst v63  }
0xdc: {  	_ = 	snop  }
0xdd: {  	[hbm4b:s8+s4] =	stream.linear.scatter [tilespmem:s4], [sflag:$0x2], $0x10, $0x38;
	[tilespmem:$0x5000] =	vst v63  }
0xde: {  	_ =	swait.ge [sflag:s15], $0x10  }
0xdf: {  	s16 =	sadd.s32 $0x1, s16;
	[sflag:s15] =	ssyncset.done $0x0  }
0xe0: {  	p0 =	sne.s32 s16, s9;
	[sflag:s15] =	ssyncadd.s32 $0xFFFFFFF0  }
0xe1: {  	[hbm4b:s7+s14] =	stream.strided.scatter [tilespmem:s12], [sflag:$0x2], $0x0, s10, s14, $0x38;
	[tilespmem:$0x5000] =	vst v63  }
.Ltmp3:
0xe2: {  	_ = 	snop;
	(pc) =	sbr.rel @p0 .LBB2_1-.Ltmp3, $4  }
0xe3: {  	[hbm4b:s7+s4] =	stream.linear.scatter [tilespmem:s12], [sflag:$0x2], $0x10, $0x38;
	[tilespmem:$0x5000] =	vst v63  }
0xe4: {  	_ =	swait.ge [sflag:s15], $0x10  }
0xe5: {  	[sflag:s15] =	ssyncset.done $0x0  }
0xe6: {  	[sflag:s15] =	ssyncadd.s32 $0xFFFFFFF0  }
0xe7: {  	_ =	sfence.sel $0x180000  }
0xe8: {  	[bflag:$0x0] =	sbarrier.arrive $0xFFFF  }
0xe9: {  	p0 =	sne.s32 s2, $0x0;
	_ =	strace $0x90000047  }
0xea: {  	s0 =	sadd.s32 @!p0 $0x100000, s0;
	[bflag:$0x2] =	sbarrier.arrive $0xFFFF  }
0xeb: {  	[sflag:s0] =	ssyncadd.tile.s32 @!p0 $0x1;
	_ =	shalt  }
.Lfunc_end2:
_tile_overlayer_lowered:
.L_overlay_start_2:
0xec: {  	(tag) =	ssettag $0x2  }
0xed: {  	s0 =	rddreg [dreg:$0x0];
	s2 =	stileid.u32  }
0xee: {  	s1 =	rddreg [dreg:$0x1];
	p0 =	sne.s32 s2, $0x0  }
0xef: {  	s3 =	rddreg [dreg:$0x2];
	[bflag:$0x3] =	sbarrier.arrive $0xFFFF;
	s2 =	simm.s32 @!p0 $0x1C02  }
0xf0: {  	[timem:s3], [sflag:s2] =	dma.local @!p0 [hbm:s0], s1  }
0xf1: {  	s0 =	simm.s32 @!p0 $0x2  }
0xf2: {  	_ =	swait.ge @!p0 [sflag:s0], s1  }
0xf3: {  	s1 =	ssub.s32 @!p0 $0x0, s1;
	[sflag:s0] =	ssyncset.done @!p0 $0x0  }
0xf4: {  	[sflag:s0] =	ssyncadd.s32 @!p0 s1  }
0xf5: {  	[bflag:$0x3] =	sbarrier.arrive $0xFFFF  }
0xf6: {  	_ =	shalt  }

</sc_bundles>
